<compile_context>
chip_gen: v7x
topology: tpu7x:2x2x1
jax: 0.10.2.dev20260603
libtpu: 0.0.44.dev20260713+nightly
codegen_flags: <defaults>
</compile_context>

<pallas_src>
import functools

import jax
import jax.numpy as jnp
from jax import lax
from jax.experimental import pallas as pl
from jax.experimental.pallas import tpu as pltpu
from jax.experimental.pallas import tpu_sc as plsc

_B = 16384
_EMB = 64
_TAG = 32
_HID = 256
_OUT = 128

_NC = 2
_NS = 16
_NW = _NC * _NS
_BPW = _B // _NW
_TCH = 128

_BT = 2048
_F32 = jnp.float32


def _wid_base():
    wid = lax.axis_index("s") * _NC + lax.axis_index("c")
    return wid * _BPW


def _gather_big(tab, idx_hbm, out_hbm, idx_v, big_v, sem, base):
    rows = big_v.shape[0]
    pltpu.sync_copy(idx_hbm.at[pl.ds(base, _BPW)], idx_v)
    for r in range(_BPW // rows):

        def row16(j, _, r=r):
            v = idx_v[pl.ds(r * rows + j * 16, 16)]
            for k in range(16):
                pltpu.async_copy(tab.at[pl.ds(v[k], 1)],
                                 big_v.at[pl.ds(j * 16 + k, 1)], sem)
            return _

        lax.fori_loop(0, rows // 16, row16, 0)
        pltpu.make_async_copy(tab.at[pl.ds(0, rows)], big_v, sem).wait()
        pltpu.sync_copy(big_v, out_hbm.at[pl.ds(base + r * rows, rows)])


def _gather_tag(tab, idx_hbm, out_hbm, idx_v, tag_v, semt, base):
    sl = pl.ds(base, _BPW)
    pltpu.sync_copy(idx_hbm.at[sl], idx_v)
    for h in range(_BPW // _TCH):
        pltpu.async_copy(
            tab.at[idx_v.at[pl.ds(h * _TCH, _TCH)]],
            tag_v.at[pl.ds(h * _TCH, _TCH)], semt)
    pltpu.make_async_copy(tab.at[pl.ds(0, _BPW)], tag_v, semt).wait()
    pltpu.sync_copy(tag_v, out_hbm.at[sl])


def _sc_user_tags_body(uidx, cidx, clidx, gidx, utab, ctab, cltab, gtab,
                       ue_o, ce_o, cle_o, ge_o,
                       idx_v, big_v, tag_v, sem, semt):
    base = _wid_base()
    _gather_big(utab, uidx, ue_o, idx_v, big_v, sem, base)
    _gather_tag(ctab, cidx, ce_o, idx_v, tag_v, semt, base)
    _gather_tag(cltab, clidx, cle_o, idx_v, tag_v, semt, base)
    _gather_tag(gtab, gidx, ge_o, idx_v, tag_v, semt, base)


def _sc_item_body(iidx, itab, ie_o, idx_v, big_v, sem):
    base = _wid_base()
    _gather_big(itab, iidx, ie_o, idx_v, big_v, sem, base)


@functools.cache
def _sc_user_tags():
    return pl.kernel(
        _sc_user_tags_body,
        mesh=plsc.VectorSubcoreMesh(core_axis_name="c", subcore_axis_name="s"),
        out_type=[
            jax.ShapeDtypeStruct((_B, _EMB), _F32),
            jax.ShapeDtypeStruct((_B, 128), _F32),
            jax.ShapeDtypeStruct((_B, 128), _F32),
            jax.ShapeDtypeStruct((_B, 128), _F32),
        ],
        scratch_types=[
            pltpu.VMEM((_BPW,), jnp.int32),
            pltpu.VMEM((_BPW // 2, _EMB), _F32),
            pltpu.VMEM((_BPW, 128), _F32),
            pltpu.SemaphoreType.DMA,
            pltpu.SemaphoreType.DMA,
        ],
    )


@functools.cache
def _sc_item():
    return pl.kernel(
        _sc_item_body,
        mesh=plsc.VectorSubcoreMesh(core_axis_name="c", subcore_axis_name="s"),
        out_type=jax.ShapeDtypeStruct((_B, _EMB), _F32),
        scratch_types=[
            pltpu.VMEM((_BPW,), jnp.int32),
            pltpu.VMEM((_BPW, _EMB), _F32),
            pltpu.SemaphoreType.DMA,
        ],
    )


_K1 = _EMB + _EMB + 3 * _TAG
_H2 = 2 * _HID


def _tc_towers_body(ue, ie, ce, cle, ge, uprice, iprice,
                    W1c, uW1p, iW1p, b1c, W2c, b2c, out):
    x = jnp.concatenate(
        [ue[...], ie[...], ce[:, :_TAG], cle[:, :_TAG], ge[:, :_TAG]], axis=1)
    h = jnp.dot(x, W1c[...], preferred_element_type=_F32) + b1c[...]
    hu = h[:, :_HID] + uprice[...][:, None] * uW1p[...]
    hi = h[:, _HID:] + iprice[...][:, None] * iW1p[...]
    h = jnp.concatenate([jnp.maximum(hu, 0.0), jnp.maximum(hi, 0.0)], axis=1)
    y = jnp.dot(h, W2c[...], preferred_element_type=_F32) + b2c[...]
    uvec = y[:, :_OUT]
    ivec = y[:, _OUT:]
    un = jnp.sqrt(jnp.sum(uvec * uvec, axis=1))
    inrm = jnp.sqrt(jnp.sum(ivec * ivec, axis=1))
    denom = jnp.maximum(un, 1e-12) * jnp.maximum(inrm, 1e-12)
    out[...] = jnp.sum(uvec * ivec, axis=1) / denom


def _row_spec(cols):
    return pl.BlockSpec((_BT, cols), lambda i: (i, 0))


def _full_spec(r, c):
    return pl.BlockSpec((r, c), lambda i: (0, 0))


_tc_towers = pl.pallas_call(
    _tc_towers_body,
    grid=(_B // _BT,),
    in_specs=[
        _row_spec(_EMB),
        _row_spec(_EMB),
        _row_spec(128),
        _row_spec(128),
        _row_spec(128),
        pl.BlockSpec((_BT,), lambda i: (i,)),
        pl.BlockSpec((_BT,), lambda i: (i,)),
        _full_spec(_K1, _H2),
        _full_spec(1, _HID),
        _full_spec(1, _HID),
        _full_spec(1, _H2),
        _full_spec(_H2, 2 * _OUT),
        _full_spec(1, 2 * _OUT),
    ],
    out_specs=pl.BlockSpec((_BT,), lambda i: (i,)),
    out_shape=jax.ShapeDtypeStruct((_B,), _F32),
)


def kernel(user_idx, user_norm_price, item_idx, item_cat, item_color,
           item_graphic, item_norm_price, user_table, item_table, cat_table,
           color_table, graphic_table, uW1, ub1, uW2, ub2, iW1, ib1, iW2, ib2):
    i32 = jnp.int32
    pad = ((0, 0), (0, 128 - _TAG))
    ie = _sc_item()(item_idx.astype(i32), item_table)
    ue, ce, cle, ge = _sc_user_tags()(
        user_idx.astype(i32), item_cat.astype(i32),
        item_color.astype(i32), item_graphic.astype(i32),
        user_table,
        jnp.pad(cat_table, pad), jnp.pad(color_table, pad),
        jnp.pad(graphic_table, pad))
    W1c = jnp.zeros((_K1, _H2), _F32)
    W1c = W1c.at[:_EMB, :_HID].set(uW1[:_EMB])
    W1c = W1c.at[_EMB:, _HID:].set(iW1[:_K1 - _EMB])
    W2c = jnp.zeros((_H2, 2 * _OUT), _F32)
    W2c = W2c.at[:_HID, :_OUT].set(uW2)
    W2c = W2c.at[_HID:, _OUT:].set(iW2)
    b1c = jnp.concatenate([ub1, ib1])[None, :]
    b2c = jnp.concatenate([ub2, ib2])[None, :]
    return _tc_towers(
        ue, ie, ce, cle, ge, user_norm_price, item_norm_price,
        W1c, uW1[_EMB:], iW1[_K1 - _EMB:], b1c, W2c, b2c)

# --- scband reference (transcript-rebuilt; emitter-appended) ---
"""Pipeline reference for scband-two-tower-model-19619410608398 (READ-ONLY COPY).

The authoritative reference and input builder live on the scoring server;
editing this copy changes nothing except your own understanding.
"""

import jax, jax.numpy as jnp
import numpy as np

B = 16384
NUM_USERS = 100000
NUM_ITEMS = 100000
NUM_CATS = 1000
NUM_COLORS = 1000
NUM_GRAPHICS = 1000
EMB = 64
TAG = 32
HID = 256
OUT = 128


def setup_inputs(seed: int = 0) -> dict:
    key = jax.random.key(seed)
    ks = jax.random.split(key, 24)
    inp = {}
    inp["user_idx"] = jax.random.randint(ks[0], (B,), 0, NUM_USERS)
    inp["user_norm_price"] = jax.random.uniform(ks[1], (B,), dtype=jnp.float32)
    inp["item_idx"] = jax.random.randint(ks[2], (B,), 0, NUM_ITEMS)
    inp["item_cat"] = jax.random.randint(ks[3], (B,), 0, NUM_CATS)
    inp["item_color"] = jax.random.randint(ks[4], (B,), 0, NUM_COLORS)
    inp["item_graphic"] = jax.random.randint(ks[5], (B,), 0, NUM_GRAPHICS)
    inp["item_norm_price"] = jax.random.uniform(ks[6], (B,), dtype=jnp.float32)
    # learned parameters
    inp["user_table"] = jax.random.normal(ks[7], (NUM_USERS, EMB), dtype=jnp.float32) * 0.02
    inp["item_table"] = jax.random.normal(ks[8], (NUM_ITEMS, EMB), dtype=jnp.float32) * 0.02
    inp["cat_table"] = jax.random.normal(ks[9], (NUM_CATS, TAG), dtype=jnp.float32) * 0.02
    inp["color_table"] = jax.random.normal(ks[10], (NUM_COLORS, TAG), dtype=jnp.float32) * 0.02
    inp["graphic_table"] = jax.random.normal(ks[11], (NUM_GRAPHICS, TAG), dtype=jnp.float32) * 0.02
    # user tower MLP: Linear(EMB+1 -> HID), ReLU, Linear(HID -> OUT)
    inp["uW1"] = jax.random.normal(ks[12], (EMB + 1, HID), dtype=jnp.float32) * 0.02
    inp["ub1"] = jnp.zeros((HID,), dtype=jnp.float32)
    inp["uW2"] = jax.random.normal(ks[13], (HID, OUT), dtype=jnp.float32) * 0.02
    inp["ub2"] = jnp.zeros((OUT,), dtype=jnp.float32)
    # item tower MLP: Linear(EMB + 3*TAG + 1 -> HID), ReLU, Linear(HID -> OUT)
    item_in = EMB + 3 * TAG + 1
    inp["iW1"] = jax.random.normal(ks[14], (item_in, HID), dtype=jnp.float32) * 0.02
    inp["ib1"] = jnp.zeros((HID,), dtype=jnp.float32)
    inp["iW2"] = jax.random.normal(ks[15], (HID, OUT), dtype=jnp.float32) * 0.02
    inp["ib2"] = jnp.zeros((OUT,), dtype=jnp.float32)
    return inp


def _l2_normalize(x, eps=1e-12):
    n = jnp.sqrt(jnp.sum(x * x, axis=1, keepdims=True))
    return x / jnp.maximum(n, eps)


def reference(user_idx, user_norm_price, item_idx, item_cat, item_color, item_graphic,
              item_norm_price, user_table, item_table, cat_table, color_table,
              graphic_table, uW1, ub1, uW2, ub2, iW1, ib1, iW2, ib2):
    # user tower
    ue = jnp.take(user_table, user_idx, axis=0)
    u_in = jnp.concatenate([ue, user_norm_price[:, None]], axis=1)
    uh = jnp.maximum(u_in @ uW1 + ub1, 0.0)  # dropout is identity at inference
    uvec = uh @ uW2 + ub2
    uvec = _l2_normalize(uvec)
    # item tower
    ie = jnp.take(item_table, item_idx, axis=0)
    ce = jnp.take(cat_table, item_cat, axis=0)
    cle = jnp.take(color_table, item_color, axis=0)
    ge = jnp.take(graphic_table, item_graphic, axis=0)
    i_in = jnp.concatenate([ie, ce, cle, ge, item_norm_price[:, None]], axis=1)
    ih = jnp.maximum(i_in @ iW1 + ib1, 0.0)
    ivec = ih @ iW2 + ib2
    ivec = _l2_normalize(ivec)
    return jnp.sum(uvec * ivec, axis=1)

if __name__ == "__main__":
    import jax
    _d = setup_inputs()
    print(jax.jit(kernel)(*tuple(_d.values())))

</pallas_src>

<mosaic_0001>
#map = affine_map<(d0, d1) -> (0)>
#map1 = affine_map<(d0, d1) -> (0, 0)>
module attributes {stable_mosaic.version = 14 : i64} {
  func.func @_sc_item_body(%arg0: i32, %arg1: i32, %arg2: memref<16384xi32, #tpu.memory_space<hbm>>, %arg3: memref<100000x64xf32, #tpu.memory_space<hbm>>, %arg4: memref<16384x64xf32, #tpu.memory_space<hbm>>, %arg5: memref<512xi32, #tpu.memory_space<vmem>>, %arg6: memref<512x64xf32, #tpu.memory_space<vmem>>, %arg7: memref<!tpu.dma_semaphore, #tpu.memory_space<semaphore_mem>>) attributes {dimension_semantics = [#tpu.dimension_semantics<core_parallel>, #tpu.dimension_semantics<subcore_parallel>], iteration_bounds = array<i64: 2, 16>, scalar_prefetch = 0 : i64, scratch_operands = 3 : i64, tpu.core_type = #tpu.core_type<sc_vector_subcore>, window_params = [{transform_indices = #map}, {transform_indices = #map1}, {transform_indices = #map1}]} {
    %mul3A = arith.constant 2 : i32
    %mul3A_0 = arith.muli %arg1, %mul3A : i32
    %add3A = arith.addi %mul3A_0, %arg0 : i32
    %mul3A_1 = arith.constant 512 : i32
    %mul3A_2 = arith.muli %add3A, %mul3A_1 : i32
    "tpu.region"() ({
      %run_scoped3A = tpu.sem_alloc : memref<!tpu.dma_semaphore, #tpu.memory_space<semaphore_mem>>
      %dma_start3A = tpu.memref_slice %arg2[%mul3A_2] : memref<16384xi32, #tpu.memory_space<hbm>> -> memref<512xi32, #tpu.memory_space<hbm>>
      %dma_start3A_15 = tpu.memref_slice %arg2[%mul3A_2] : memref<16384xi32, #tpu.memory_space<hbm>> -> memref<512xi32, #tpu.memory_space<hbm>>
      tpu.enqueue_dma source(%dma_start3A_15 : memref<512xi32, #tpu.memory_space<hbm>>) target(%arg5 : memref<512xi32, #tpu.memory_space<vmem>>) target_semaphore(%run_scoped3A : memref<!tpu.dma_semaphore, #tpu.memory_space<semaphore_mem>>)
      %dma_wait3A_16 = tpu.memref_slice %arg2[%mul3A_2] : memref<16384xi32, #tpu.memory_space<hbm>> -> memref<512xi32, #tpu.memory_space<hbm>>
      %dma_wait3A_17 = tpu.memref_slice %arg2[%mul3A_2] : memref<16384xi32, #tpu.memory_space<hbm>> -> memref<512xi32, #tpu.memory_space<hbm>>
      tpu.wait_dma2 semaphore(%run_scoped3A : memref<!tpu.dma_semaphore, #tpu.memory_space<semaphore_mem>>) src(%dma_wait3A_17 : memref<512xi32, #tpu.memory_space<hbm>>) dst(%arg5 : memref<512xi32, #tpu.memory_space<vmem>>)
      tpu.yield
    }) : () -> ()
    %scan3A = arith.constant 0 : i32
    %scan3A_3 = arith.constant 0 : i32
    %scan3A_4 = arith.constant 32 : i32
    %scan3A_5 = arith.addi %scan3A_3, %scan3A_4 : i32
    %scan3A_6 = arith.constant 1 : i32
    scf.for %scan3A_15 = %scan3A_3 to %scan3A_5 step %scan3A_6  : i32 {
      %mul3A_16 = arith.constant 16 : i32
      %mul3A_17 = arith.muli %scan3A_15, %mul3A_16 : i32
      %add3A_18 = arith.constant 0 : i32
      %add3A_19 = arith.addi %add3A_18, %mul3A_17 : i32
      %get3A = arith.index_cast %add3A_19 : i32 to index
      %get3A_20 = tpu.vector_load %arg5[%get3A] {strides = array<i32>} : memref<512xi32, #tpu.memory_space<vmem>>, vector<16xi32>,
      %get3A_21 = vector.shape_cast %get3A_20 : vector<16xi32> to vector<16xi32>
      %slice3A = vector.extract_strided_slice %get3A_21 {offsets = [0], sizes = [1], strides = [1]} : vector<16xi32> to vector<1xi32>
      %squeeze3A = vector.extract %slice3A[0] : i32 from vector<1xi32>
      %mul3A_22 = arith.constant 16 : i32
      %mul3A_23 = arith.muli %scan3A_15, %mul3A_22 : i32
      %add3A_24 = arith.constant 0 : i32
      %add3A_25 = arith.addi %mul3A_23, %add3A_24 : i32
      %dma_start3A = arith.constant 0 : i32
      %dma_start3A_26 = tpu.memref_slice %arg6[%add3A_25, %dma_start3A] : memref<512x64xf32, #tpu.memory_space<vmem>> -> memref<1x64xf32, #tpu.memory_space<vmem>>
      %dma_start3A_27 = arith.constant 0 : i32
      %dma_start3A_28 = tpu.memref_slice %arg3[%squeeze3A, %dma_start3A_27] : memref<100000x64xf32, #tpu.memory_space<hbm>> -> memref<1x64xf32, #tpu.memory_space<hbm>>
      %dma_start3A_29 = arith.constant 0 : i32
      %dma_start3A_30 = tpu.memref_slice %arg6[%add3A_25, %dma_start3A_29] : memref<512x64xf32, #tpu.memory_space<vmem>> -> memref<1x64xf32, #tpu.memory_space<vmem>>
      %dma_start3A_31 = arith.constant 0 : i32
      %dma_start3A_32 = tpu.memref_slice %arg3[%squeeze3A, %dma_start3A_31] : memref<100000x64xf32, #tpu.memory_space<hbm>> -> memref<1x64xf32, #tpu.memory_space<hbm>>
      tpu.enqueue_dma source(%dma_start3A_32 : memref<1x64xf32, #tpu.memory_space<hbm>>) target(%dma_start3A_30 : memref<1x64xf32, #tpu.memory_space<vmem>>) target_semaphore(%arg7 : memref<!tpu.dma_semaphore, #tpu.memory_space<semaphore_mem>>)
      %slice3A_33 = vector.extract_strided_slice %get3A_21 {offsets = [1], sizes = [1], strides = [1]} : vector<16xi32> to vector<1xi32>
      %squeeze3A_34 = vector.extract %slice3A_33[0] : i32 from vector<1xi32>
      %mul3A_35 = arith.constant 16 : i32
      %mul3A_36 = arith.muli %scan3A_15, %mul3A_35 : i32
      %add3A_37 = arith.constant 1 : i32
      %add3A_38 = arith.addi %mul3A_36, %add3A_37 : i32
      %dma_start3A_39 = arith.constant 0 : i32
      %dma_start3A_40 = tpu.memref_slice %arg6[%add3A_38, %dma_start3A_39] : memref<512x64xf32, #tpu.memory_space<vmem>> -> memref<1x64xf32, #tpu.memory_space<vmem>>
      %dma_start3A_41 = arith.constant 0 : i32
      %dma_start3A_42 = tpu.memref_slice %arg3[%squeeze3A_34, %dma_start3A_41] : memref<100000x64xf32, #tpu.memory_space<hbm>> -> memref<1x64xf32, #tpu.memory_space<hbm>>
      %dma_start3A_43 = arith.constant 0 : i32
      %dma_start3A_44 = tpu.memref_slice %arg6[%add3A_38, %dma_start3A_43] : memref<512x64xf32, #tpu.memory_space<vmem>> -> memref<1x64xf32, #tpu.memory_space<vmem>>
      %dma_start3A_45 = arith.constant 0 : i32
      %dma_start3A_46 = tpu.memref_slice %arg3[%squeeze3A_34, %dma_start3A_45] : memref<100000x64xf32, #tpu.memory_space<hbm>> -> memref<1x64xf32, #tpu.memory_space<hbm>>
      tpu.enqueue_dma source(%dma_start3A_46 : memref<1x64xf32, #tpu.memory_space<hbm>>) target(%dma_start3A_44 : memref<1x64xf32, #tpu.memory_space<vmem>>) target_semaphore(%arg7 : memref<!tpu.dma_semaphore, #tpu.memory_space<semaphore_mem>>)
      %slice3A_47 = vector.extract_strided_slice %get3A_21 {offsets = [2], sizes = [1], strides = [1]} : vector<16xi32> to vector<1xi32>
      %squeeze3A_48 = vector.extract %slice3A_47[0] : i32 from vector<1xi32>
      %mul3A_49 = arith.constant 16 : i32
      %mul3A_50 = arith.muli %scan3A_15, %mul3A_49 : i32
      %add3A_51 = arith.constant 2 : i32
      %add3A_52 = arith.addi %mul3A_50, %add3A_51 : i32
      %dma_start3A_53 = arith.constant 0 : i32
      %dma_start3A_54 = tpu.memref_slice %arg6[%add3A_52, %dma_start3A_53] : memref<512x64xf32, #tpu.memory_space<vmem>> -> memref<1x64xf32, #tpu.memory_space<vmem>>
      %dma_start3A_55 = arith.constant 0 : i32
      %dma_start3A_56 = tpu.memref_slice %arg3[%squeeze3A_48, %dma_start3A_55] : memref<100000x64xf32, #tpu.memory_space<hbm>> -> memref<1x64xf32, #tpu.memory_space<hbm>>
      %dma_start3A_57 = arith.constant 0 : i32
      %dma_start3A_58 = tpu.memref_slice %arg6[%add3A_52, %dma_start3A_57] : memref<512x64xf32, #tpu.memory_space<vmem>> -> memref<1x64xf32, #tpu.memory_space<vmem>>
      %dma_start3A_59 = arith.constant 0 : i32
      %dma_start3A_60 = tpu.memref_slice %arg3[%squeeze3A_48, %dma_start3A_59] : memref<100000x64xf32, #tpu.memory_space<hbm>> -> memref<1x64xf32, #tpu.memory_space<hbm>>
      tpu.enqueue_dma source(%dma_start3A_60 : memref<1x64xf32, #tpu.memory_space<hbm>>) target(%dma_start3A_58 : memref<1x64xf32, #tpu.memory_space<vmem>>) target_semaphore(%arg7 : memref<!tpu.dma_semaphore, #tpu.memory_space<semaphore_mem>>)
      %slice3A_61 = vector.extract_strided_slice %get3A_21 {offsets = [3], sizes = [1], strides = [1]} : vector<16xi32> to vector<1xi32>
      %squeeze3A_62 = vector.extract %slice3A_61[0] : i32 from vector<1xi32>
      %mul3A_63 = arith.constant 16 : i32
      %mul3A_64 = arith.muli %scan3A_15, %mul3A_63 : i32
      %add3A_65 = arith.constant 3 : i32
      %add3A_66 = arith.addi %mul3A_64, %add3A_65 : i32
      %dma_start3A_67 = arith.constant 0 : i32
      %dma_start3A_68 = tpu.memref_slice %arg6[%add3A_66, %dma_start3A_67] : memref<512x64xf32, #tpu.memory_space<vmem>> -> memref<1x64xf32, #tpu.memory_space<vmem>>
      %dma_start3A_69 = arith.constant 0 : i32
      %dma_start3A_70 = tpu.memref_slice %arg3[%squeeze3A_62, %dma_start3A_69] : memref<100000x64xf32, #tpu.memory_space<hbm>> -> memref<1x64xf32, #tpu.memory_space<hbm>>
      %dma_start3A_71 = arith.constant 0 : i32
      %dma_start3A_72 = tpu.memref_slice %arg6[%add3A_66, %dma_start3A_71] : memref<512x64xf32, #tpu.memory_space<vmem>> -> memref<1x64xf32, #tpu.memory_space<vmem>>
      %dma_start3A_73 = arith.constant 0 : i32
      %dma_start3A_74 = tpu.memref_slice %arg3[%squeeze3A_62, %dma_start3A_73] : memref<100000x64xf32, #tpu.memory_space<hbm>> -> memref<1x64xf32, #tpu.memory_space<hbm>>
      tpu.enqueue_dma source(%dma_start3A_74 : memref<1x64xf32, #tpu.memory_space<hbm>>) target(%dma_start3A_72 : memref<1x64xf32, #tpu.memory_space<vmem>>) target_semaphore(%arg7 : memref<!tpu.dma_semaphore, #tpu.memory_space<semaphore_mem>>)
      %slice3A_75 = vector.extract_strided_slice %get3A_21 {offsets = [4], sizes = [1], strides = [1]} : vector<16xi32> to vector<1xi32>
      %squeeze3A_76 = vector.extract %slice3A_75[0] : i32 from vector<1xi32>
      %mul3A_77 = arith.constant 16 : i32
      %mul3A_78 = arith.muli %scan3A_15, %mul3A_77 : i32
      %add3A_79 = arith.constant 4 : i32
      %add3A_80 = arith.addi %mul3A_78, %add3A_79 : i32
      %dma_start3A_81 = arith.constant 0 : i32
      %dma_start3A_82 = tpu.memref_slice %arg6[%add3A_80, %dma_start3A_81] : memref<512x64xf32, #tpu.memory_space<vmem>> -> memref<1x64xf32, #tpu.memory_space<vmem>>
      %dma_start3A_83 = arith.constant 0 : i32
      %dma_start3A_84 = tpu.memref_slice %arg3[%squeeze3A_76, %dma_start3A_83] : memref<100000x64xf32, #tpu.memory_space<hbm>> -> memref<1x64xf32, #tpu.memory_space<hbm>>
      %dma_start3A_85 = arith.constant 0 : i32
      %dma_start3A_86 = tpu.memref_slice %arg6[%add3A_80, %dma_start3A_85] : memref<512x64xf32, #tpu.memory_space<vmem>> -> memref<1x64xf32, #tpu.memory_space<vmem>>
      %dma_start3A_87 = arith.constant 0 : i32
      %dma_start3A_88 = tpu.memref_slice %arg3[%squeeze3A_76, %dma_start3A_87] : memref<100000x64xf32, #tpu.memory_space<hbm>> -> memref<1x64xf32, #tpu.memory_space<hbm>>
      tpu.enqueue_dma source(%dma_start3A_88 : memref<1x64xf32, #tpu.memory_space<hbm>>) target(%dma_start3A_86 : memref<1x64xf32, #tpu.memory_space<vmem>>) target_semaphore(%arg7 : memref<!tpu.dma_semaphore, #tpu.memory_space<semaphore_mem>>)
      %slice3A_89 = vector.extract_strided_slice %get3A_21 {offsets = [5], sizes = [1], strides = [1]} : vector<16xi32> to vector<1xi32>
      %squeeze3A_90 = vector.extract %slice3A_89[0] : i32 from vector<1xi32>
      %mul3A_91 = arith.constant 16 : i32
      %mul3A_92 = arith.muli %scan3A_15, %mul3A_91 : i32
      %add3A_93 = arith.constant 5 : i32
      %add3A_94 = arith.addi %mul3A_92, %add3A_93 : i32
      %dma_start3A_95 = arith.constant 0 : i32
      %dma_start3A_96 = tpu.memref_slice %arg6[%add3A_94, %dma_start3A_95] : memref<512x64xf32, #tpu.memory_space<vmem>> -> memref<1x64xf32, #tpu.memory_space<vmem>>
      %dma_start3A_97 = arith.constant 0 : i32
      %dma_start3A_98 = tpu.memref_slice %arg3[%squeeze3A_90, %dma_start3A_97] : memref<100000x64xf32, #tpu.memory_space<hbm>> -> memref<1x64xf32, #tpu.memory_space<hbm>>
      %dma_start3A_99 = arith.constant 0 : i32
      %dma_start3A_100 = tpu.memref_slice %arg6[%add3A_94, %dma_start3A_99] : memref<512x64xf32, #tpu.memory_space<vmem>> -> memref<1x64xf32, #tpu.memory_space<vmem>>
      %dma_start3A_101 = arith.constant 0 : i32
      %dma_start3A_102 = tpu.memref_slice %arg3[%squeeze3A_90, %dma_start3A_101] : memref<100000x64xf32, #tpu.memory_space<hbm>> -> memref<1x64xf32, #tpu.memory_space<hbm>>
      tpu.enqueue_dma source(%dma_start3A_102 : memref<1x64xf32, #tpu.memory_space<hbm>>) target(%dma_start3A_100 : memref<1x64xf32, #tpu.memory_space<vmem>>) target_semaphore(%arg7 : memref<!tpu.dma_semaphore, #tpu.memory_space<semaphore_mem>>)
      %slice3A_103 = vector.extract_strided_slice %get3A_21 {offsets = [6], sizes = [1], strides = [1]} : vector<16xi32> to vector<1xi32>
      %squeeze3A_104 = vector.extract %slice3A_103[0] : i32 from vector<1xi32>
      %mul3A_105 = arith.constant 16 : i32
      %mul3A_106 = arith.muli %scan3A_15, %mul3A_105 : i32
      %add3A_107 = arith.constant 6 : i32
      %add3A_108 = arith.addi %mul3A_106, %add3A_107 : i32
      %dma_start3A_109 = arith.constant 0 : i32
      %dma_start3A_110 = tpu.memref_slice %arg6[%add3A_108, %dma_start3A_109] : memref<512x64xf32, #tpu.memory_space<vmem>> -> memref<1x64xf32, #tpu.memory_space<vmem>>
      %dma_start3A_111 = arith.constant 0 : i32
      %dma_start3A_112 = tpu.memref_slice %arg3[%squeeze3A_104, %dma_start3A_111] : memref<100000x64xf32, #tpu.memory_space<hbm>> -> memref<1x64xf32, #tpu.memory_space<hbm>>
      %dma_start3A_113 = arith.constant 0 : i32
      %dma_start3A_114 = tpu.memref_slice %arg6[%add3A_108, %dma_start3A_113] : memref<512x64xf32, #tpu.memory_space<vmem>> -> memref<1x64xf32, #tpu.memory_space<vmem>>
      %dma_start3A_115 = arith.constant 0 : i32
      %dma_start3A_116 = tpu.memref_slice %arg3[%squeeze3A_104, %dma_start3A_115] : memref<100000x64xf32, #tpu.memory_space<hbm>> -> memref<1x64xf32, #tpu.memory_space<hbm>>
      tpu.enqueue_dma source(%dma_start3A_116 : memref<1x64xf32, #tpu.memory_space<hbm>>) target(%dma_start3A_114 : memref<1x64xf32, #tpu.memory_space<vmem>>) target_semaphore(%arg7 : memref<!tpu.dma_semaphore, #tpu.memory_space<semaphore_mem>>)
      %slice3A_117 = vector.extract_strided_slice %get3A_21 {offsets = [7], sizes = [1], strides = [1]} : vector<16xi32> to vector<1xi32>
      %squeeze3A_118 = vector.extract %slice3A_117[0] : i32 from vector<1xi32>
      %mul3A_119 = arith.constant 16 : i32
      %mul3A_120 = arith.muli %scan3A_15, %mul3A_119 : i32
      %add3A_121 = arith.constant 7 : i32
      %add3A_122 = arith.addi %mul3A_120, %add3A_121 : i32
      %dma_start3A_123 = arith.constant 0 : i32
      %dma_start3A_124 = tpu.memref_slice %arg6[%add3A_122, %dma_start3A_123] : memref<512x64xf32, #tpu.memory_space<vmem>> -> memref<1x64xf32, #tpu.memory_space<vmem>>
      %dma_start3A_125 = arith.constant 0 : i32
      %dma_start3A_126 = tpu.memref_slice %arg3[%squeeze3A_118, %dma_start3A_125] : memref<100000x64xf32, #tpu.memory_space<hbm>> -> memref<1x64xf32, #tpu.memory_space<hbm>>
      %dma_start3A_127 = arith.constant 0 : i32
      %dma_start3A_128 = tpu.memref_slice %arg6[%add3A_122, %dma_start3A_127] : memref<512x64xf32, #tpu.memory_space<vmem>> -> memref<1x64xf32, #tpu.memory_space<vmem>>
      %dma_start3A_129 = arith.constant 0 : i32
      %dma_start3A_130 = tpu.memref_slice %arg3[%squeeze3A_118, %dma_start3A_129] : memref<100000x64xf32, #tpu.memory_space<hbm>> -> memref<1x64xf32, #tpu.memory_space<hbm>>
      tpu.enqueue_dma source(%dma_start3A_130 : memref<1x64xf32, #tpu.memory_space<hbm>>) target(%dma_start3A_128 : memref<1x64xf32, #tpu.memory_space<vmem>>) target_semaphore(%arg7 : memref<!tpu.dma_semaphore, #tpu.memory_space<semaphore_mem>>)
      %slice3A_131 = vector.extract_strided_slice %get3A_21 {offsets = [8], sizes = [1], strides = [1]} : vector<16xi32> to vector<1xi32>
      %squeeze3A_132 = vector.extract %slice3A_131[0] : i32 from vector<1xi32>
      %mul3A_133 = arith.constant 16 : i32
      %mul3A_134 = arith.muli %scan3A_15, %mul3A_133 : i32
      %add3A_135 = arith.constant 8 : i32
      %add3A_136 = arith.addi %mul3A_134, %add3A_135 : i32
      %dma_start3A_137 = arith.constant 0 : i32
      %dma_start3A_138 = tpu.memref_slice %arg6[%add3A_136, %dma_start3A_137] : memref<512x64xf32, #tpu.memory_space<vmem>> -> memref<1x64xf32, #tpu.memory_space<vmem>>
      %dma_start3A_139 = arith.constant 0 : i32
      %dma_start3A_140 = tpu.memref_slice %arg3[%squeeze3A_132, %dma_start3A_139] : memref<100000x64xf32, #tpu.memory_space<hbm>> -> memref<1x64xf32, #tpu.memory_space<hbm>>
      %dma_start3A_141 = arith.constant 0 : i32
      %dma_start3A_142 = tpu.memref_slice %arg6[%add3A_136, %dma_start3A_141] : memref<512x64xf32, #tpu.memory_space<vmem>> -> memref<1x64xf32, #tpu.memory_space<vmem>>
      %dma_start3A_143 = arith.constant 0 : i32
      %dma_start3A_144 = tpu.memref_slice %arg3[%squeeze3A_132, %dma_start3A_143] : memref<100000x64xf32, #tpu.memory_space<hbm>> -> memref<1x64xf32, #tpu.memory_space<hbm>>
      tpu.enqueue_dma source(%dma_start3A_144 : memref<1x64xf32, #tpu.memory_space<hbm>>) target(%dma_start3A_142 : memref<1x64xf32, #tpu.memory_space<vmem>>) target_semaphore(%arg7 : memref<!tpu.dma_semaphore, #tpu.memory_space<semaphore_mem>>)
      %slice3A_145 = vector.extract_strided_slice %get3A_21 {offsets = [9], sizes = [1], strides = [1]} : vector<16xi32> to vector<1xi32>
      %squeeze3A_146 = vector.extract %slice3A_145[0] : i32 from vector<1xi32>
      %mul3A_147 = arith.constant 16 : i32
      %mul3A_148 = arith.muli %scan3A_15, %mul3A_147 : i32
      %add3A_149 = arith.constant 9 : i32
      %add3A_150 = arith.addi %mul3A_148, %add3A_149 : i32
      %dma_start3A_151 = arith.constant 0 : i32
      %dma_start3A_152 = tpu.memref_slice %arg6[%add3A_150, %dma_start3A_151] : memref<512x64xf32, #tpu.memory_space<vmem>> -> memref<1x64xf32, #tpu.memory_space<vmem>>
      %dma_start3A_153 = arith.constant 0 : i32
      %dma_start3A_154 = tpu.memref_slice %arg3[%squeeze3A_146, %dma_start3A_153] : memref<100000x64xf32, #tpu.memory_space<hbm>> -> memref<1x64xf32, #tpu.memory_space<hbm>>
      %dma_start3A_155 = arith.constant 0 : i32
      %dma_start3A_156 = tpu.memref_slice %arg6[%add3A_150, %dma_start3A_155] : memref<512x64xf32, #tpu.memory_space<vmem>> -> memref<1x64xf32, #tpu.memory_space<vmem>>
      %dma_start3A_157 = arith.constant 0 : i32
      %dma_start3A_158 = tpu.memref_slice %arg3[%squeeze3A_146, %dma_start3A_157] : memref<100000x64xf32, #tpu.memory_space<hbm>> -> memref<1x64xf32, #tpu.memory_space<hbm>>
      tpu.enqueue_dma source(%dma_start3A_158 : memref<1x64xf32, #tpu.memory_space<hbm>>) target(%dma_start3A_156 : memref<1x64xf32, #tpu.memory_space<vmem>>) target_semaphore(%arg7 : memref<!tpu.dma_semaphore, #tpu.memory_space<semaphore_mem>>)
      %slice3A_159 = vector.extract_strided_slice %get3A_21 {offsets = [10], sizes = [1], strides = [1]} : vector<16xi32> to vector<1xi32>
      %squeeze3A_160 = vector.extract %slice3A_159[0] : i32 from vector<1xi32>
      %mul3A_161 = arith.constant 16 : i32
      %mul3A_162 = arith.muli %scan3A_15, %mul3A_161 : i32
      %add3A_163 = arith.constant 10 : i32
      %add3A_164 = arith.addi %mul3A_162, %add3A_163 : i32
      %dma_start3A_165 = arith.constant 0 : i32
      %dma_start3A_166 = tpu.memref_slice %arg6[%add3A_164, %dma_start3A_165] : memref<512x64xf32, #tpu.memory_space<vmem>> -> memref<1x64xf32, #tpu.memory_space<vmem>>
      %dma_start3A_167 = arith.constant 0 : i32
      %dma_start3A_168 = tpu.memref_slice %arg3[%squeeze3A_160, %dma_start3A_167] : memref<100000x64xf32, #tpu.memory_space<hbm>> -> memref<1x64xf32, #tpu.memory_space<hbm>>
      %dma_start3A_169 = arith.constant 0 : i32
      %dma_start3A_170 = tpu.memref_slice %arg6[%add3A_164, %dma_start3A_169] : memref<512x64xf32, #tpu.memory_space<vmem>> -> memref<1x64xf32, #tpu.memory_space<vmem>>
      %dma_start3A_171 = arith.constant 0 : i32
      %dma_start3A_172 = tpu.memref_slice %arg3[%squeeze3A_160, %dma_start3A_171] : memref<100000x64xf32, #tpu.memory_space<hbm>> -> memref<1x64xf32, #tpu.memory_space<hbm>>
      tpu.enqueue_dma source(%dma_start3A_172 : memref<1x64xf32, #tpu.memory_space<hbm>>) target(%dma_start3A_170 : memref<1x64xf32, #tpu.memory_space<vmem>>) target_semaphore(%arg7 : memref<!tpu.dma_semaphore, #tpu.memory_space<semaphore_mem>>)
      %slice3A_173 = vector.extract_strided_slice %get3A_21 {offsets = [11], sizes = [1], strides = [1]} : vector<16xi32> to vector<1xi32>
      %squeeze3A_174 = vector.extract %slice3A_173[0] : i32 from vector<1xi32>
      %mul3A_175 = arith.constant 16 : i32
      %mul3A_176 = arith.muli %scan3A_15, %mul3A_175 : i32
      %add3A_177 = arith.constant 11 : i32
      %add3A_178 = arith.addi %mul3A_176, %add3A_177 : i32
      %dma_start3A_179 = arith.constant 0 : i32
      %dma_start3A_180 = tpu.memref_slice %arg6[%add3A_178, %dma_start3A_179] : memref<512x64xf32, #tpu.memory_space<vmem>> -> memref<1x64xf32, #tpu.memory_space<vmem>>
      %dma_start3A_181 = arith.constant 0 : i32
      %dma_start3A_182 = tpu.memref_slice %arg3[%squeeze3A_174, %dma_start3A_181] : memref<100000x64xf32, #tpu.memory_space<hbm>> -> memref<1x64xf32, #tpu.memory_space<hbm>>
      %dma_start3A_183 = arith.constant 0 : i32
      %dma_start3A_184 = tpu.memref_slice %arg6[%add3A_178, %dma_start3A_183] : memref<512x64xf32, #tpu.memory_space<vmem>> -> memref<1x64xf32, #tpu.memory_space<vmem>>
      %dma_start3A_185 = arith.constant 0 : i32
      %dma_start3A_186 = tpu.memref_slice %arg3[%squeeze3A_174, %dma_start3A_185] : memref<100000x64xf32, #tpu.memory_space<hbm>> -> memref<1x64xf32, #tpu.memory_space<hbm>>
      tpu.enqueue_dma source(%dma_start3A_186 : memref<1x64xf32, #tpu.memory_space<hbm>>) target(%dma_start3A_184 : memref<1x64xf32, #tpu.memory_space<vmem>>) target_semaphore(%arg7 : memref<!tpu.dma_semaphore, #tpu.memory_space<semaphore_mem>>)
      %slice3A_187 = vector.extract_strided_slice %get3A_21 {offsets = [12], sizes = [1], strides = [1]} : vector<16xi32> to vector<1xi32>
      %squeeze3A_188 = vector.extract %slice3A_187[0] : i32 from vector<1xi32>
      %mul3A_189 = arith.constant 16 : i32
      %mul3A_190 = arith.muli %scan3A_15, %mul3A_189 : i32
      %add3A_191 = arith.constant 12 : i32
      %add3A_192 = arith.addi %mul3A_190, %add3A_191 : i32
      %dma_start3A_193 = arith.constant 0 : i32
      %dma_start3A_194 = tpu.memref_slice %arg6[%add3A_192, %dma_start3A_193] : memref<512x64xf32, #tpu.memory_space<vmem>> -> memref<1x64xf32, #tpu.memory_space<vmem>>
      %dma_start3A_195 = arith.constant 0 : i32
      %dma_start3A_196 = tpu.memref_slice %arg3[%squeeze3A_188, %dma_start3A_195] : memref<100000x64xf32, #tpu.memory_space<hbm>> -> memref<1x64xf32, #tpu.memory_space<hbm>>
      %dma_start3A_197 = arith.constant 0 : i32
      %dma_start3A_198 = tpu.memref_slice %arg6[%add3A_192, %dma_start3A_197] : memref<512x64xf32, #tpu.memory_space<vmem>> -> memref<1x64xf32, #tpu.memory_space<vmem>>
      %dma_start3A_199 = arith.constant 0 : i32
      %dma_start3A_200 = tpu.memref_slice %arg3[%squeeze3A_188, %dma_start3A_199] : memref<100000x64xf32, #tpu.memory_space<hbm>> -> memref<1x64xf32, #tpu.memory_space<hbm>>
      tpu.enqueue_dma source(%dma_start3A_200 : memref<1x64xf32, #tpu.memory_space<hbm>>) target(%dma_start3A_198 : memref<1x64xf32, #tpu.memory_space<vmem>>) target_semaphore(%arg7 : memref<!tpu.dma_semaphore, #tpu.memory_space<semaphore_mem>>)
      %slice3A_201 = vector.extract_strided_slice %get3A_21 {offsets = [13], sizes = [1], strides = [1]} : vector<16xi32> to vector<1xi32>
      %squeeze3A_202 = vector.extract %slice3A_201[0] : i32 from vector<1xi32>
      %mul3A_203 = arith.constant 16 : i32
      %mul3A_204 = arith.muli %scan3A_15, %mul3A_203 : i32
      %add3A_205 = arith.constant 13 : i32
      %add3A_206 = arith.addi %mul3A_204, %add3A_205 : i32
      %dma_start3A_207 = arith.constant 0 : i32
      %dma_start3A_208 = tpu.memref_slice %arg6[%add3A_206, %dma_start3A_207] : memref<512x64xf32, #tpu.memory_space<vmem>> -> memref<1x64xf32, #tpu.memory_space<vmem>>
      %dma_start3A_209 = arith.constant 0 : i32
      %dma_start3A_210 = tpu.memref_slice %arg3[%squeeze3A_202, %dma_start3A_209] : memref<100000x64xf32, #tpu.memory_space<hbm>> -> memref<1x64xf32, #tpu.memory_space<hbm>>
      %dma_start3A_211 = arith.constant 0 : i32
      %dma_start3A_212 = tpu.memref_slice %arg6[%add3A_206, %dma_start3A_211] : memref<512x64xf32, #tpu.memory_space<vmem>> -> memref<1x64xf32, #tpu.memory_space<vmem>>
      %dma_start3A_213 = arith.constant 0 : i32
      %dma_start3A_214 = tpu.memref_slice %arg3[%squeeze3A_202, %dma_start3A_213] : memref<100000x64xf32, #tpu.memory_space<hbm>> -> memref<1x64xf32, #tpu.memory_space<hbm>>
      tpu.enqueue_dma source(%dma_start3A_214 : memref<1x64xf32, #tpu.memory_space<hbm>>) target(%dma_start3A_212 : memref<1x64xf32, #tpu.memory_space<vmem>>) target_semaphore(%arg7 : memref<!tpu.dma_semaphore, #tpu.memory_space<semaphore_mem>>)
      %slice3A_215 = vector.extract_strided_slice %get3A_21 {offsets = [14], sizes = [1], strides = [1]} : vector<16xi32> to vector<1xi32>
      %squeeze3A_216 = vector.extract %slice3A_215[0] : i32 from vector<1xi32>
      %mul3A_217 = arith.constant 16 : i32
      %mul3A_218 = arith.muli %scan3A_15, %mul3A_217 : i32
      %add3A_219 = arith.constant 14 : i32
      %add3A_220 = arith.addi %mul3A_218, %add3A_219 : i32
      %dma_start3A_221 = arith.constant 0 : i32
      %dma_start3A_222 = tpu.memref_slice %arg6[%add3A_220, %dma_start3A_221] : memref<512x64xf32, #tpu.memory_space<vmem>> -> memref<1x64xf32, #tpu.memory_space<vmem>>
      %dma_start3A_223 = arith.constant 0 : i32
      %dma_start3A_224 = tpu.memref_slice %arg3[%squeeze3A_216, %dma_start3A_223] : memref<100000x64xf32, #tpu.memory_space<hbm>> -> memref<1x64xf32, #tpu.memory_space<hbm>>
      %dma_start3A_225 = arith.constant 0 : i32
      %dma_start3A_226 = tpu.memref_slice %arg6[%add3A_220, %dma_start3A_225] : memref<512x64xf32, #tpu.memory_space<vmem>> -> memref<1x64xf32, #tpu.memory_space<vmem>>
      %dma_start3A_227 = arith.constant 0 : i32
      %dma_start3A_228 = tpu.memref_slice %arg3[%squeeze3A_216, %dma_start3A_227] : memref<100000x64xf32, #tpu.memory_space<hbm>> -> memref<1x64xf32, #tpu.memory_space<hbm>>
      tpu.enqueue_dma source(%dma_start3A_228 : memref<1x64xf32, #tpu.memory_space<hbm>>) target(%dma_start3A_226 : memref<1x64xf32, #tpu.memory_space<vmem>>) target_semaphore(%arg7 : memref<!tpu.dma_semaphore, #tpu.memory_space<semaphore_mem>>)
      %slice3A_229 = vector.extract_strided_slice %get3A_21 {offsets = [15], sizes = [1], strides = [1]} : vector<16xi32> to vector<1xi32>
      %squeeze3A_230 = vector.extract %slice3A_229[0] : i32 from vector<1xi32>
      %mul3A_231 = arith.constant 16 : i32
      %mul3A_232 = arith.muli %scan3A_15, %mul3A_231 : i32
      %add3A_233 = arith.constant 15 : i32
      %add3A_234 = arith.addi %mul3A_232, %add3A_233 : i32
      %dma_start3A_235 = arith.constant 0 : i32
      %dma_start3A_236 = tpu.memref_slice %arg6[%add3A_234, %dma_start3A_235] : memref<512x64xf32, #tpu.memory_space<vmem>> -> memref<1x64xf32, #tpu.memory_space<vmem>>
      %dma_start3A_237 = arith.constant 0 : i32
      %dma_start3A_238 = tpu.memref_slice %arg3[%squeeze3A_230, %dma_start3A_237] : memref<100000x64xf32, #tpu.memory_space<hbm>> -> memref<1x64xf32, #tpu.memory_space<hbm>>
      %dma_start3A_239 = arith.constant 0 : i32
      %dma_start3A_240 = tpu.memref_slice %arg6[%add3A_234, %dma_start3A_239] : memref<512x64xf32, #tpu.memory_space<vmem>> -> memref<1x64xf32, #tpu.memory_space<vmem>>
      %dma_start3A_241 = arith.constant 0 : i32
      %dma_start3A_242 = tpu.memref_slice %arg3[%squeeze3A_230, %dma_start3A_241] : memref<100000x64xf32, #tpu.memory_space<hbm>> -> memref<1x64xf32, #tpu.memory_space<hbm>>
      tpu.enqueue_dma source(%dma_start3A_242 : memref<1x64xf32, #tpu.memory_space<hbm>>) target(%dma_start3A_240 : memref<1x64xf32, #tpu.memory_space<vmem>>) target_semaphore(%arg7 : memref<!tpu.dma_semaphore, #tpu.memory_space<semaphore_mem>>)
    }
    %scan3A_7 = arith.constant 32 : i32
    %dma_wait3A = arith.constant 0 : i32
    %dma_wait3A_8 = arith.constant 0 : i32
    %dma_wait3A_9 = tpu.memref_slice %arg3[%dma_wait3A, %dma_wait3A_8] : memref<100000x64xf32, #tpu.memory_space<hbm>> -> memref<512x64xf32, #tpu.memory_space<hbm>>
    %dma_wait3A_10 = arith.constant 0 : i32
    %dma_wait3A_11 = arith.constant 0 : i32
    %dma_wait3A_12 = tpu.memref_slice %arg3[%dma_wait3A_10, %dma_wait3A_11] : memref<100000x64xf32, #tpu.memory_space<hbm>> -> memref<512x64xf32, #tpu.memory_space<hbm>>
    tpu.wait_dma2 semaphore(%arg7 : memref<!tpu.dma_semaphore, #tpu.memory_space<semaphore_mem>>) src(%dma_wait3A_12 : memref<512x64xf32, #tpu.memory_space<hbm>>) dst(%arg6 : memref<512x64xf32, #tpu.memory_space<vmem>>)
    %add3A_13 = arith.constant 0 : i32
    %add3A_14 = arith.addi %mul3A_2, %add3A_13 : i32
    "tpu.region"() ({
      %run_scoped3A = tpu.sem_alloc : memref<!tpu.dma_semaphore, #tpu.memory_space<semaphore_mem>>
      %dma_start3A = arith.constant 0 : i32
      %dma_start3A_15 = tpu.memref_slice %arg4[%add3A_14, %dma_start3A] : memref<16384x64xf32, #tpu.memory_space<hbm>> -> memref<512x64xf32, #tpu.memory_space<hbm>>
      %dma_start3A_16 = arith.constant 0 : i32
      %dma_start3A_17 = tpu.memref_slice %arg4[%add3A_14, %dma_start3A_16] : memref<16384x64xf32, #tpu.memory_space<hbm>> -> memref<512x64xf32, #tpu.memory_space<hbm>>
      tpu.enqueue_dma source(%arg6 : memref<512x64xf32, #tpu.memory_space<vmem>>) target(%dma_start3A_17 : memref<512x64xf32, #tpu.memory_space<hbm>>) target_semaphore(%run_scoped3A : memref<!tpu.dma_semaphore, #tpu.memory_space<semaphore_mem>>)
      %dma_wait3A_18 = arith.constant 0 : i32
      %dma_wait3A_19 = tpu.memref_slice %arg4[%add3A_14, %dma_wait3A_18] : memref<16384x64xf32, #tpu.memory_space<hbm>> -> memref<512x64xf32, #tpu.memory_space<hbm>>
      %dma_wait3A_20 = arith.constant 0 : i32
      %dma_wait3A_21 = tpu.memref_slice %arg4[%add3A_14, %dma_wait3A_20] : memref<16384x64xf32, #tpu.memory_space<hbm>> -> memref<512x64xf32, #tpu.memory_space<hbm>>
      tpu.wait_dma2 semaphore(%run_scoped3A : memref<!tpu.dma_semaphore, #tpu.memory_space<semaphore_mem>>) src(%arg6 : memref<512x64xf32, #tpu.memory_space<vmem>>) dst(%dma_wait3A_21 : memref<512x64xf32, #tpu.memory_space<hbm>>)
      tpu.yield
    }) : () -> ()
    return
  }
}

#map = affine_map<(d0, d1) -> (0)>
#map1 = affine_map<(d0, d1) -> (0, 0)>
module attributes {stable_mosaic.version = 14 : i64} {
  func.func @_sc_user_tags_body(%arg0: i32, %arg1: i32, %arg2: memref<16384xi32, #tpu.memory_space<hbm>>, %arg3: memref<16384xi32, #tpu.memory_space<hbm>>, %arg4: memref<16384xi32, #tpu.memory_space<hbm>>, %arg5: memref<16384xi32, #tpu.memory_space<hbm>>, %arg6: memref<100000x64xf32, #tpu.memory_space<hbm>>, %arg7: memref<1000x128xf32, #tpu.memory_space<hbm>>, %arg8: memref<1000x128xf32, #tpu.memory_space<hbm>>, %arg9: memref<1000x128xf32, #tpu.memory_space<hbm>>, %arg10: memref<16384x64xf32, #tpu.memory_space<hbm>>, %arg11: memref<16384x128xf32, #tpu.memory_space<hbm>>, %arg12: memref<16384x128xf32, #tpu.memory_space<hbm>>, %arg13: memref<16384x128xf32, #tpu.memory_space<hbm>>, %arg14: memref<512xi32, #tpu.memory_space<vmem>>, %arg15: memref<256x64xf32, #tpu.memory_space<vmem>>, %arg16: memref<512x128xf32, #tpu.memory_space<vmem>>, %arg17: memref<!tpu.dma_semaphore, #tpu.memory_space<semaphore_mem>>, %arg18: memref<!tpu.dma_semaphore, #tpu.memory_space<semaphore_mem>>) attributes {dimension_semantics = [#tpu.dimension_semantics<core_parallel>, #tpu.dimension_semantics<subcore_parallel>], iteration_bounds = array<i64: 2, 16>, scalar_prefetch = 0 : i64, scratch_operands = 5 : i64, tpu.core_type = #tpu.core_type<sc_vector_subcore>, window_params = [{transform_indices = #map}, {transform_indices = #map}, {transform_indices = #map}, {transform_indices = #map}, {transform_indices = #map1}, {transform_indices = #map1}, {transform_indices = #map1}, {transform_indices = #map1}, {transform_indices = #map1}, {transform_indices = #map1}, {transform_indices = #map1}, {transform_indices = #map1}]} {
    %mul3A = arith.constant 2 : i32
    %mul3A_0 = arith.muli %arg1, %mul3A : i32
    %add3A = arith.addi %mul3A_0, %arg0 : i32
    %mul3A_1 = arith.constant 512 : i32
    %mul3A_2 = arith.muli %add3A, %mul3A_1 : i32
    "tpu.region"() ({
      %run_scoped3A = tpu.sem_alloc : memref<!tpu.dma_semaphore, #tpu.memory_space<semaphore_mem>>
      %dma_start3A_142 = tpu.memref_slice %arg2[%mul3A_2] : memref<16384xi32, #tpu.memory_space<hbm>> -> memref<512xi32, #tpu.memory_space<hbm>>
      %dma_start3A_143 = tpu.memref_slice %arg2[%mul3A_2] : memref<16384xi32, #tpu.memory_space<hbm>> -> memref<512xi32, #tpu.memory_space<hbm>>
      tpu.enqueue_dma source(%dma_start3A_143 : memref<512xi32, #tpu.memory_space<hbm>>) target(%arg14 : memref<512xi32, #tpu.memory_space<vmem>>) target_semaphore(%run_scoped3A : memref<!tpu.dma_semaphore, #tpu.memory_space<semaphore_mem>>)
      %dma_wait3A_144 = tpu.memref_slice %arg2[%mul3A_2] : memref<16384xi32, #tpu.memory_space<hbm>> -> memref<512xi32, #tpu.memory_space<hbm>>
      %dma_wait3A_145 = tpu.memref_slice %arg2[%mul3A_2] : memref<16384xi32, #tpu.memory_space<hbm>> -> memref<512xi32, #tpu.memory_space<hbm>>
      tpu.wait_dma2 semaphore(%run_scoped3A : memref<!tpu.dma_semaphore, #tpu.memory_space<semaphore_mem>>) src(%dma_wait3A_145 : memref<512xi32, #tpu.memory_space<hbm>>) dst(%arg14 : memref<512xi32, #tpu.memory_space<vmem>>)
      tpu.yield
    }) : () -> ()
    %scan3A = arith.constant 0 : i32
    %scan3A_3 = arith.constant 0 : i32
    %scan3A_4 = arith.constant 16 : i32
    %scan3A_5 = arith.addi %scan3A_3, %scan3A_4 : i32
    %scan3A_6 = arith.constant 1 : i32
    scf.for %scan3A_142 = %scan3A_3 to %scan3A_5 step %scan3A_6  : i32 {
      %mul3A_143 = arith.constant 16 : i32
      %mul3A_144 = arith.muli %scan3A_142, %mul3A_143 : i32
      %add3A_145 = arith.constant 0 : i32
      %add3A_146 = arith.addi %add3A_145, %mul3A_144 : i32
      %get3A = arith.index_cast %add3A_146 : i32 to index
      %get3A_147 = tpu.vector_load %arg14[%get3A] {strides = array<i32>} : memref<512xi32, #tpu.memory_space<vmem>>, vector<16xi32>,
      %get3A_148 = vector.shape_cast %get3A_147 : vector<16xi32> to vector<16xi32>
      %slice3A = vector.extract_strided_slice %get3A_148 {offsets = [0], sizes = [1], strides = [1]} : vector<16xi32> to vector<1xi32>
      %squeeze3A = vector.extract %slice3A[0] : i32 from vector<1xi32>
      %mul3A_149 = arith.constant 16 : i32
      %mul3A_150 = arith.muli %scan3A_142, %mul3A_149 : i32
      %add3A_151 = arith.constant 0 : i32
      %add3A_152 = arith.addi %mul3A_150, %add3A_151 : i32
      %dma_start3A_153 = arith.constant 0 : i32
      %dma_start3A_154 = tpu.memref_slice %arg15[%add3A_152, %dma_start3A_153] : memref<256x64xf32, #tpu.memory_space<vmem>> -> memref<1x64xf32, #tpu.memory_space<vmem>>
      %dma_start3A_155 = arith.constant 0 : i32
      %dma_start3A_156 = tpu.memref_slice %arg6[%squeeze3A, %dma_start3A_155] : memref<100000x64xf32, #tpu.memory_space<hbm>> -> memref<1x64xf32, #tpu.memory_space<hbm>>
      %dma_start3A_157 = arith.constant 0 : i32
      %dma_start3A_158 = tpu.memref_slice %arg15[%add3A_152, %dma_start3A_157] : memref<256x64xf32, #tpu.memory_space<vmem>> -> memref<1x64xf32, #tpu.memory_space<vmem>>
      %dma_start3A_159 = arith.constant 0 : i32
      %dma_start3A_160 = tpu.memref_slice %arg6[%squeeze3A, %dma_start3A_159] : memref<100000x64xf32, #tpu.memory_space<hbm>> -> memref<1x64xf32, #tpu.memory_space<hbm>>
      tpu.enqueue_dma source(%dma_start3A_160 : memref<1x64xf32, #tpu.memory_space<hbm>>) target(%dma_start3A_158 : memref<1x64xf32, #tpu.memory_space<vmem>>) target_semaphore(%arg17 : memref<!tpu.dma_semaphore, #tpu.memory_space<semaphore_mem>>)
      %slice3A_161 = vector.extract_strided_slice %get3A_148 {offsets = [1], sizes = [1], strides = [1]} : vector<16xi32> to vector<1xi32>
      %squeeze3A_162 = vector.extract %slice3A_161[0] : i32 from vector<1xi32>
      %mul3A_163 = arith.constant 16 : i32
      %mul3A_164 = arith.muli %scan3A_142, %mul3A_163 : i32
      %add3A_165 = arith.constant 1 : i32
      %add3A_166 = arith.addi %mul3A_164, %add3A_165 : i32
      %dma_start3A_167 = arith.constant 0 : i32
      %dma_start3A_168 = tpu.memref_slice %arg15[%add3A_166, %dma_start3A_167] : memref<256x64xf32, #tpu.memory_space<vmem>> -> memref<1x64xf32, #tpu.memory_space<vmem>>
      %dma_start3A_169 = arith.constant 0 : i32
      %dma_start3A_170 = tpu.memref_slice %arg6[%squeeze3A_162, %dma_start3A_169] : memref<100000x64xf32, #tpu.memory_space<hbm>> -> memref<1x64xf32, #tpu.memory_space<hbm>>
      %dma_start3A_171 = arith.constant 0 : i32
      %dma_start3A_172 = tpu.memref_slice %arg15[%add3A_166, %dma_start3A_171] : memref<256x64xf32, #tpu.memory_space<vmem>> -> memref<1x64xf32, #tpu.memory_space<vmem>>
      %dma_start3A_173 = arith.constant 0 : i32
      %dma_start3A_174 = tpu.memref_slice %arg6[%squeeze3A_162, %dma_start3A_173] : memref<100000x64xf32, #tpu.memory_space<hbm>> -> memref<1x64xf32, #tpu.memory_space<hbm>>
      tpu.enqueue_dma source(%dma_start3A_174 : memref<1x64xf32, #tpu.memory_space<hbm>>) target(%dma_start3A_172 : memref<1x64xf32, #tpu.memory_space<vmem>>) target_semaphore(%arg17 : memref<!tpu.dma_semaphore, #tpu.memory_space<semaphore_mem>>)
      %slice3A_175 = vector.extract_strided_slice %get3A_148 {offsets = [2], sizes = [1], strides = [1]} : vector<16xi32> to vector<1xi32>
      %squeeze3A_176 = vector.extract %slice3A_175[0] : i32 from vector<1xi32>
      %mul3A_177 = arith.constant 16 : i32
      %mul3A_178 = arith.muli %scan3A_142, %mul3A_177 : i32
      %add3A_179 = arith.constant 2 : i32
      %add3A_180 = arith.addi %mul3A_178, %add3A_179 : i32
      %dma_start3A_181 = arith.constant 0 : i32
      %dma_start3A_182 = tpu.memref_slice %arg15[%add3A_180, %dma_start3A_181] : memref<256x64xf32, #tpu.memory_space<vmem>> -> memref<1x64xf32, #tpu.memory_space<vmem>>
      %dma_start3A_183 = arith.constant 0 : i32
      %dma_start3A_184 = tpu.memref_slice %arg6[%squeeze3A_176, %dma_start3A_183] : memref<100000x64xf32, #tpu.memory_space<hbm>> -> memref<1x64xf32, #tpu.memory_space<hbm>>
      %dma_start3A_185 = arith.constant 0 : i32
      %dma_start3A_186 = tpu.memref_slice %arg15[%add3A_180, %dma_start3A_185] : memref<256x64xf32, #tpu.memory_space<vmem>> -> memref<1x64xf32, #tpu.memory_space<vmem>>
      %dma_start3A_187 = arith.constant 0 : i32
      %dma_start3A_188 = tpu.memref_slice %arg6[%squeeze3A_176, %dma_start3A_187] : memref<100000x64xf32, #tpu.memory_space<hbm>> -> memref<1x64xf32, #tpu.memory_space<hbm>>
      tpu.enqueue_dma source(%dma_start3A_188 : memref<1x64xf32, #tpu.memory_space<hbm>>) target(%dma_start3A_186 : memref<1x64xf32, #tpu.memory_space<vmem>>) target_semaphore(%arg17 : memref<!tpu.dma_semaphore, #tpu.memory_space<semaphore_mem>>)
      %slice3A_189 = vector.extract_strided_slice %get3A_148 {offsets = [3], sizes = [1], strides = [1]} : vector<16xi32> to vector<1xi32>
      %squeeze3A_190 = vector.extract %slice3A_189[0] : i32 from vector<1xi32>
      %mul3A_191 = arith.constant 16 : i32
      %mul3A_192 = arith.muli %scan3A_142, %mul3A_191 : i32
      %add3A_193 = arith.constant 3 : i32
      %add3A_194 = arith.addi %mul3A_192, %add3A_193 : i32
      %dma_start3A_195 = arith.constant 0 : i32
      %dma_start3A_196 = tpu.memref_slice %arg15[%add3A_194, %dma_start3A_195] : memref<256x64xf32, #tpu.memory_space<vmem>> -> memref<1x64xf32, #tpu.memory_space<vmem>>
      %dma_start3A_197 = arith.constant 0 : i32
      %dma_start3A_198 = tpu.memref_slice %arg6[%squeeze3A_190, %dma_start3A_197] : memref<100000x64xf32, #tpu.memory_space<hbm>> -> memref<1x64xf32, #tpu.memory_space<hbm>>
      %dma_start3A_199 = arith.constant 0 : i32
      %dma_start3A_200 = tpu.memref_slice %arg15[%add3A_194, %dma_start3A_199] : memref<256x64xf32, #tpu.memory_space<vmem>> -> memref<1x64xf32, #tpu.memory_space<vmem>>
      %dma_start3A_201 = arith.constant 0 : i32
      %dma_start3A_202 = tpu.memref_slice %arg6[%squeeze3A_190, %dma_start3A_201] : memref<100000x64xf32, #tpu.memory_space<hbm>> -> memref<1x64xf32, #tpu.memory_space<hbm>>
      tpu.enqueue_dma source(%dma_start3A_202 : memref<1x64xf32, #tpu.memory_space<hbm>>) target(%dma_start3A_200 : memref<1x64xf32, #tpu.memory_space<vmem>>) target_semaphore(%arg17 : memref<!tpu.dma_semaphore, #tpu.memory_space<semaphore_mem>>)
      %slice3A_203 = vector.extract_strided_slice %get3A_148 {offsets = [4], sizes = [1], strides = [1]} : vector<16xi32> to vector<1xi32>
      %squeeze3A_204 = vector.extract %slice3A_203[0] : i32 from vector<1xi32>
      %mul3A_205 = arith.constant 16 : i32
      %mul3A_206 = arith.muli %scan3A_142, %mul3A_205 : i32
      %add3A_207 = arith.constant 4 : i32
      %add3A_208 = arith.addi %mul3A_206, %add3A_207 : i32
      %dma_start3A_209 = arith.constant 0 : i32
      %dma_start3A_210 = tpu.memref_slice %arg15[%add3A_208, %dma_start3A_209] : memref<256x64xf32, #tpu.memory_space<vmem>> -> memref<1x64xf32, #tpu.memory_space<vmem>>
      %dma_start3A_211 = arith.constant 0 : i32
      %dma_start3A_212 = tpu.memref_slice %arg6[%squeeze3A_204, %dma_start3A_211] : memref<100000x64xf32, #tpu.memory_space<hbm>> -> memref<1x64xf32, #tpu.memory_space<hbm>>
      %dma_start3A_213 = arith.constant 0 : i32
      %dma_start3A_214 = tpu.memref_slice %arg15[%add3A_208, %dma_start3A_213] : memref<256x64xf32, #tpu.memory_space<vmem>> -> memref<1x64xf32, #tpu.memory_space<vmem>>
      %dma_start3A_215 = arith.constant 0 : i32
      %dma_start3A_216 = tpu.memref_slice %arg6[%squeeze3A_204, %dma_start3A_215] : memref<100000x64xf32, #tpu.memory_space<hbm>> -> memref<1x64xf32, #tpu.memory_space<hbm>>
      tpu.enqueue_dma source(%dma_start3A_216 : memref<1x64xf32, #tpu.memory_space<hbm>>) target(%dma_start3A_214 : memref<1x64xf32, #tpu.memory_space<vmem>>) target_semaphore(%arg17 : memref<!tpu.dma_semaphore, #tpu.memory_space<semaphore_mem>>)
      %slice3A_217 = vector.extract_strided_slice %get3A_148 {offsets = [5], sizes = [1], strides = [1]} : vector<16xi32> to vector<1xi32>
      %squeeze3A_218 = vector.extract %slice3A_217[0] : i32 from vector<1xi32>
      %mul3A_219 = arith.constant 16 : i32
      %mul3A_220 = arith.muli %scan3A_142, %mul3A_219 : i32
      %add3A_221 = arith.constant 5 : i32
      %add3A_222 = arith.addi %mul3A_220, %add3A_221 : i32
      %dma_start3A_223 = arith.constant 0 : i32
      %dma_start3A_224 = tpu.memref_slice %arg15[%add3A_222, %dma_start3A_223] : memref<256x64xf32, #tpu.memory_space<vmem>> -> memref<1x64xf32, #tpu.memory_space<vmem>>
      %dma_start3A_225 = arith.constant 0 : i32
      %dma_start3A_226 = tpu.memref_slice %arg6[%squeeze3A_218, %dma_start3A_225] : memref<100000x64xf32, #tpu.memory_space<hbm>> -> memref<1x64xf32, #tpu.memory_space<hbm>>
      %dma_start3A_227 = arith.constant 0 : i32
      %dma_start3A_228 = tpu.memref_slice %arg15[%add3A_222, %dma_start3A_227] : memref<256x64xf32, #tpu.memory_space<vmem>> -> memref<1x64xf32, #tpu.memory_space<vmem>>
      %dma_start3A_229 = arith.constant 0 : i32
      %dma_start3A_230 = tpu.memref_slice %arg6[%squeeze3A_218, %dma_start3A_229] : memref<100000x64xf32, #tpu.memory_space<hbm>> -> memref<1x64xf32, #tpu.memory_space<hbm>>
      tpu.enqueue_dma source(%dma_start3A_230 : memref<1x64xf32, #tpu.memory_space<hbm>>) target(%dma_start3A_228 : memref<1x64xf32, #tpu.memory_space<vmem>>) target_semaphore(%arg17 : memref<!tpu.dma_semaphore, #tpu.memory_space<semaphore_mem>>)
      %slice3A_231 = vector.extract_strided_slice %get3A_148 {offsets = [6], sizes = [1], strides = [1]} : vector<16xi32> to vector<1xi32>
      %squeeze3A_232 = vector.extract %slice3A_231[0] : i32 from vector<1xi32>
      %mul3A_233 = arith.constant 16 : i32
      %mul3A_234 = arith.muli %scan3A_142, %mul3A_233 : i32
      %add3A_235 = arith.constant 6 : i32
      %add3A_236 = arith.addi %mul3A_234, %add3A_235 : i32
      %dma_start3A_237 = arith.constant 0 : i32
      %dma_start3A_238 = tpu.memref_slice %arg15[%add3A_236, %dma_start3A_237] : memref<256x64xf32, #tpu.memory_space<vmem>> -> memref<1x64xf32, #tpu.memory_space<vmem>>
      %dma_start3A_239 = arith.constant 0 : i32
      %dma_start3A_240 = tpu.memref_slice %arg6[%squeeze3A_232, %dma_start3A_239] : memref<100000x64xf32, #tpu.memory_space<hbm>> -> memref<1x64xf32, #tpu.memory_space<hbm>>
      %dma_start3A_241 = arith.constant 0 : i32
      %dma_start3A_242 = tpu.memref_slice %arg15[%add3A_236, %dma_start3A_241] : memref<256x64xf32, #tpu.memory_space<vmem>> -> memref<1x64xf32, #tpu.memory_space<vmem>>
      %dma_start3A_243 = arith.constant 0 : i32
      %dma_start3A_244 = tpu.memref_slice %arg6[%squeeze3A_232, %dma_start3A_243] : memref<100000x64xf32, #tpu.memory_space<hbm>> -> memref<1x64xf32, #tpu.memory_space<hbm>>
      tpu.enqueue_dma source(%dma_start3A_244 : memref<1x64xf32, #tpu.memory_space<hbm>>) target(%dma_start3A_242 : memref<1x64xf32, #tpu.memory_space<vmem>>) target_semaphore(%arg17 : memref<!tpu.dma_semaphore, #tpu.memory_space<semaphore_mem>>)
      %slice3A_245 = vector.extract_strided_slice %get3A_148 {offsets = [7], sizes = [1], strides = [1]} : vector<16xi32> to vector<1xi32>
      %squeeze3A_246 = vector.extract %slice3A_245[0] : i32 from vector<1xi32>
      %mul3A_247 = arith.constant 16 : i32
      %mul3A_248 = arith.muli %scan3A_142, %mul3A_247 : i32
      %add3A_249 = arith.constant 7 : i32
      %add3A_250 = arith.addi %mul3A_248, %add3A_249 : i32
      %dma_start3A_251 = arith.constant 0 : i32
      %dma_start3A_252 = tpu.memref_slice %arg15[%add3A_250, %dma_start3A_251] : memref<256x64xf32, #tpu.memory_space<vmem>> -> memref<1x64xf32, #tpu.memory_space<vmem>>
      %dma_start3A_253 = arith.constant 0 : i32
      %dma_start3A_254 = tpu.memref_slice %arg6[%squeeze3A_246, %dma_start3A_253] : memref<100000x64xf32, #tpu.memory_space<hbm>> -> memref<1x64xf32, #tpu.memory_space<hbm>>
      %dma_start3A_255 = arith.constant 0 : i32
      %dma_start3A_256 = tpu.memref_slice %arg15[%add3A_250, %dma_start3A_255] : memref<256x64xf32, #tpu.memory_space<vmem>> -> memref<1x64xf32, #tpu.memory_space<vmem>>
      %dma_start3A_257 = arith.constant 0 : i32
      %dma_start3A_258 = tpu.memref_slice %arg6[%squeeze3A_246, %dma_start3A_257] : memref<100000x64xf32, #tpu.memory_space<hbm>> -> memref<1x64xf32, #tpu.memory_space<hbm>>
      tpu.enqueue_dma source(%dma_start3A_258 : memref<1x64xf32, #tpu.memory_space<hbm>>) target(%dma_start3A_256 : memref<1x64xf32, #tpu.memory_space<vmem>>) target_semaphore(%arg17 : memref<!tpu.dma_semaphore, #tpu.memory_space<semaphore_mem>>)
      %slice3A_259 = vector.extract_strided_slice %get3A_148 {offsets = [8], sizes = [1], strides = [1]} : vector<16xi32> to vector<1xi32>
      %squeeze3A_260 = vector.extract %slice3A_259[0] : i32 from vector<1xi32>
      %mul3A_261 = arith.constant 16 : i32
      %mul3A_262 = arith.muli %scan3A_142, %mul3A_261 : i32
      %add3A_263 = arith.constant 8 : i32
      %add3A_264 = arith.addi %mul3A_262, %add3A_263 : i32
      %dma_start3A_265 = arith.constant 0 : i32
      %dma_start3A_266 = tpu.memref_slice %arg15[%add3A_264, %dma_start3A_265] : memref<256x64xf32, #tpu.memory_space<vmem>> -> memref<1x64xf32, #tpu.memory_space<vmem>>
      %dma_start3A_267 = arith.constant 0 : i32
      %dma_start3A_268 = tpu.memref_slice %arg6[%squeeze3A_260, %dma_start3A_267] : memref<100000x64xf32, #tpu.memory_space<hbm>> -> memref<1x64xf32, #tpu.memory_space<hbm>>
      %dma_start3A_269 = arith.constant 0 : i32
      %dma_start3A_270 = tpu.memref_slice %arg15[%add3A_264, %dma_start3A_269] : memref<256x64xf32, #tpu.memory_space<vmem>> -> memref<1x64xf32, #tpu.memory_space<vmem>>
      %dma_start3A_271 = arith.constant 0 : i32
      %dma_start3A_272 = tpu.memref_slice %arg6[%squeeze3A_260, %dma_start3A_271] : memref<100000x64xf32, #tpu.memory_space<hbm>> -> memref<1x64xf32, #tpu.memory_space<hbm>>
      tpu.enqueue_dma source(%dma_start3A_272 : memref<1x64xf32, #tpu.memory_space<hbm>>) target(%dma_start3A_270 : memref<1x64xf32, #tpu.memory_space<vmem>>) target_semaphore(%arg17 : memref<!tpu.dma_semaphore, #tpu.memory_space<semaphore_mem>>)
      %slice3A_273 = vector.extract_strided_slice %get3A_148 {offsets = [9], sizes = [1], strides = [1]} : vector<16xi32> to vector<1xi32>
      %squeeze3A_274 = vector.extract %slice3A_273[0] : i32 from vector<1xi32>
      %mul3A_275 = arith.constant 16 : i32
      %mul3A_276 = arith.muli %scan3A_142, %mul3A_275 : i32
      %add3A_277 = arith.constant 9 : i32
      %add3A_278 = arith.addi %mul3A_276, %add3A_277 : i32
      %dma_start3A_279 = arith.constant 0 : i32
      %dma_start3A_280 = tpu.memref_slice %arg15[%add3A_278, %dma_start3A_279] : memref<256x64xf32, #tpu.memory_space<vmem>> -> memref<1x64xf32, #tpu.memory_space<vmem>>
      %dma_start3A_281 = arith.constant 0 : i32
      %dma_start3A_282 = tpu.memref_slice %arg6[%squeeze3A_274, %dma_start3A_281] : memref<100000x64xf32, #tpu.memory_space<hbm>> -> memref<1x64xf32, #tpu.memory_space<hbm>>
      %dma_start3A_283 = arith.constant 0 : i32
      %dma_start3A_284 = tpu.memref_slice %arg15[%add3A_278, %dma_start3A_283] : memref<256x64xf32, #tpu.memory_space<vmem>> -> memref<1x64xf32, #tpu.memory_space<vmem>>
      %dma_start3A_285 = arith.constant 0 : i32
      %dma_start3A_286 = tpu.memref_slice %arg6[%squeeze3A_274, %dma_start3A_285] : memref<100000x64xf32, #tpu.memory_space<hbm>> -> memref<1x64xf32, #tpu.memory_space<hbm>>
      tpu.enqueue_dma source(%dma_start3A_286 : memref<1x64xf32, #tpu.memory_space<hbm>>) target(%dma_start3A_284 : memref<1x64xf32, #tpu.memory_space<vmem>>) target_semaphore(%arg17 : memref<!tpu.dma_semaphore, #tpu.memory_space<semaphore_mem>>)
      %slice3A_287 = vector.extract_strided_slice %get3A_148 {offsets = [10], sizes = [1], strides = [1]} : vector<16xi32> to vector<1xi32>
      %squeeze3A_288 = vector.extract %slice3A_287[0] : i32 from vector<1xi32>
      %mul3A_289 = arith.constant 16 : i32
      %mul3A_290 = arith.muli %scan3A_142, %mul3A_289 : i32
      %add3A_291 = arith.constant 10 : i32
      %add3A_292 = arith.addi %mul3A_290, %add3A_291 : i32
      %dma_start3A_293 = arith.constant 0 : i32
      %dma_start3A_294 = tpu.memref_slice %arg15[%add3A_292, %dma_start3A_293] : memref<256x64xf32, #tpu.memory_space<vmem>> -> memref<1x64xf32, #tpu.memory_space<vmem>>
      %dma_start3A_295 = arith.constant 0 : i32
      %dma_start3A_296 = tpu.memref_slice %arg6[%squeeze3A_288, %dma_start3A_295] : memref<100000x64xf32, #tpu.memory_space<hbm>> -> memref<1x64xf32, #tpu.memory_space<hbm>>
      %dma_start3A_297 = arith.constant 0 : i32
      %dma_start3A_298 = tpu.memref_slice %arg15[%add3A_292, %dma_start3A_297] : memref<256x64xf32, #tpu.memory_space<vmem>> -> memref<1x64xf32, #tpu.memory_space<vmem>>
      %dma_start3A_299 = arith.constant 0 : i32
      %dma_start3A_300 = tpu.memref_slice %arg6[%squeeze3A_288, %dma_start3A_299] : memref<100000x64xf32, #tpu.memory_space<hbm>> -> memref<1x64xf32, #tpu.memory_space<hbm>>
      tpu.enqueue_dma source(%dma_start3A_300 : memref<1x64xf32, #tpu.memory_space<hbm>>) target(%dma_start3A_298 : memref<1x64xf32, #tpu.memory_space<vmem>>) target_semaphore(%arg17 : memref<!tpu.dma_semaphore, #tpu.memory_space<semaphore_mem>>)
      %slice3A_301 = vector.extract_strided_slice %get3A_148 {offsets = [11], sizes = [1], strides = [1]} : vector<16xi32> to vector<1xi32>
      %squeeze3A_302 = vector.extract %slice3A_301[0] : i32 from vector<1xi32>
      %mul3A_303 = arith.constant 16 : i32
      %mul3A_304 = arith.muli %scan3A_142, %mul3A_303 : i32
      %add3A_305 = arith.constant 11 : i32
      %add3A_306 = arith.addi %mul3A_304, %add3A_305 : i32
      %dma_start3A_307 = arith.constant 0 : i32
      %dma_start3A_308 = tpu.memref_slice %arg15[%add3A_306, %dma_start3A_307] : memref<256x64xf32, #tpu.memory_space<vmem>> -> memref<1x64xf32, #tpu.memory_space<vmem>>
      %dma_start3A_309 = arith.constant 0 : i32
      %dma_start3A_310 = tpu.memref_slice %arg6[%squeeze3A_302, %dma_start3A_309] : memref<100000x64xf32, #tpu.memory_space<hbm>> -> memref<1x64xf32, #tpu.memory_space<hbm>>
      %dma_start3A_311 = arith.constant 0 : i32
      %dma_start3A_312 = tpu.memref_slice %arg15[%add3A_306, %dma_start3A_311] : memref<256x64xf32, #tpu.memory_space<vmem>> -> memref<1x64xf32, #tpu.memory_space<vmem>>
      %dma_start3A_313 = arith.constant 0 : i32
      %dma_start3A_314 = tpu.memref_slice %arg6[%squeeze3A_302, %dma_start3A_313] : memref<100000x64xf32, #tpu.memory_space<hbm>> -> memref<1x64xf32, #tpu.memory_space<hbm>>
      tpu.enqueue_dma source(%dma_start3A_314 : memref<1x64xf32, #tpu.memory_space<hbm>>) target(%dma_start3A_312 : memref<1x64xf32, #tpu.memory_space<vmem>>) target_semaphore(%arg17 : memref<!tpu.dma_semaphore, #tpu.memory_space<semaphore_mem>>)
      %slice3A_315 = vector.extract_strided_slice %get3A_148 {offsets = [12], sizes = [1], strides = [1]} : vector<16xi32> to vector<1xi32>
      %squeeze3A_316 = vector.extract %slice3A_315[0] : i32 from vector<1xi32>
      %mul3A_317 = arith.constant 16 : i32
      %mul3A_318 = arith.muli %scan3A_142, %mul3A_317 : i32
      %add3A_319 = arith.constant 12 : i32
      %add3A_320 = arith.addi %mul3A_318, %add3A_319 : i32
      %dma_start3A_321 = arith.constant 0 : i32
      %dma_start3A_322 = tpu.memref_slice %arg15[%add3A_320, %dma_start3A_321] : memref<256x64xf32, #tpu.memory_space<vmem>> -> memref<1x64xf32, #tpu.memory_space<vmem>>
      %dma_start3A_323 = arith.constant 0 : i32
      %dma_start3A_324 = tpu.memref_slice %arg6[%squeeze3A_316, %dma_start3A_323] : memref<100000x64xf32, #tpu.memory_space<hbm>> -> memref<1x64xf32, #tpu.memory_space<hbm>>
      %dma_start3A_325 = arith.constant 0 : i32
      %dma_start3A_326 = tpu.memref_slice %arg15[%add3A_320, %dma_start3A_325] : memref<256x64xf32, #tpu.memory_space<vmem>> -> memref<1x64xf32, #tpu.memory_space<vmem>>
      %dma_start3A_327 = arith.constant 0 : i32
      %dma_start3A_328 = tpu.memref_slice %arg6[%squeeze3A_316, %dma_start3A_327] : memref<100000x64xf32, #tpu.memory_space<hbm>> -> memref<1x64xf32, #tpu.memory_space<hbm>>
      tpu.enqueue_dma source(%dma_start3A_328 : memref<1x64xf32, #tpu.memory_space<hbm>>) target(%dma_start3A_326 : memref<1x64xf32, #tpu.memory_space<vmem>>) target_semaphore(%arg17 : memref<!tpu.dma_semaphore, #tpu.memory_space<semaphore_mem>>)
      %slice3A_329 = vector.extract_strided_slice %get3A_148 {offsets = [13], sizes = [1], strides = [1]} : vector<16xi32> to vector<1xi32>
      %squeeze3A_330 = vector.extract %slice3A_329[0] : i32 from vector<1xi32>
      %mul3A_331 = arith.constant 16 : i32
      %mul3A_332 = arith.muli %scan3A_142, %mul3A_331 : i32
      %add3A_333 = arith.constant 13 : i32
      %add3A_334 = arith.addi %mul3A_332, %add3A_333 : i32
      %dma_start3A_335 = arith.constant 0 : i32
      %dma_start3A_336 = tpu.memref_slice %arg15[%add3A_334, %dma_start3A_335] : memref<256x64xf32, #tpu.memory_space<vmem>> -> memref<1x64xf32, #tpu.memory_space<vmem>>
      %dma_start3A_337 = arith.constant 0 : i32
      %dma_start3A_338 = tpu.memref_slice %arg6[%squeeze3A_330, %dma_start3A_337] : memref<100000x64xf32, #tpu.memory_space<hbm>> -> memref<1x64xf32, #tpu.memory_space<hbm>>
      %dma_start3A_339 = arith.constant 0 : i32
      %dma_start3A_340 = tpu.memref_slice %arg15[%add3A_334, %dma_start3A_339] : memref<256x64xf32, #tpu.memory_space<vmem>> -> memref<1x64xf32, #tpu.memory_space<vmem>>
      %dma_start3A_341 = arith.constant 0 : i32
      %dma_start3A_342 = tpu.memref_slice %arg6[%squeeze3A_330, %dma_start3A_341] : memref<100000x64xf32, #tpu.memory_space<hbm>> -> memref<1x64xf32, #tpu.memory_space<hbm>>
      tpu.enqueue_dma source(%dma_start3A_342 : memref<1x64xf32, #tpu.memory_space<hbm>>) target(%dma_start3A_340 : memref<1x64xf32, #tpu.memory_space<vmem>>) target_semaphore(%arg17 : memref<!tpu.dma_semaphore, #tpu.memory_space<semaphore_mem>>)
      %slice3A_343 = vector.extract_strided_slice %get3A_148 {offsets = [14], sizes = [1], strides = [1]} : vector<16xi32> to vector<1xi32>
      %squeeze3A_344 = vector.extract %slice3A_343[0] : i32 from vector<1xi32>
      %mul3A_345 = arith.constant 16 : i32
      %mul3A_346 = arith.muli %scan3A_142, %mul3A_345 : i32
      %add3A_347 = arith.constant 14 : i32
      %add3A_348 = arith.addi %mul3A_346, %add3A_347 : i32
      %dma_start3A_349 = arith.constant 0 : i32
      %dma_start3A_350 = tpu.memref_slice %arg15[%add3A_348, %dma_start3A_349] : memref<256x64xf32, #tpu.memory_space<vmem>> -> memref<1x64xf32, #tpu.memory_space<vmem>>
      %dma_start3A_351 = arith.constant 0 : i32
      %dma_start3A_352 = tpu.memref_slice %arg6[%squeeze3A_344, %dma_start3A_351] : memref<100000x64xf32, #tpu.memory_space<hbm>> -> memref<1x64xf32, #tpu.memory_space<hbm>>
      %dma_start3A_353 = arith.constant 0 : i32
      %dma_start3A_354 = tpu.memref_slice %arg15[%add3A_348, %dma_start3A_353] : memref<256x64xf32, #tpu.memory_space<vmem>> -> memref<1x64xf32, #tpu.memory_space<vmem>>
      %dma_start3A_355 = arith.constant 0 : i32
      %dma_start3A_356 = tpu.memref_slice %arg6[%squeeze3A_344, %dma_start3A_355] : memref<100000x64xf32, #tpu.memory_space<hbm>> -> memref<1x64xf32, #tpu.memory_space<hbm>>
      tpu.enqueue_dma source(%dma_start3A_356 : memref<1x64xf32, #tpu.memory_space<hbm>>) target(%dma_start3A_354 : memref<1x64xf32, #tpu.memory_space<vmem>>) target_semaphore(%arg17 : memref<!tpu.dma_semaphore, #tpu.memory_space<semaphore_mem>>)
      %slice3A_357 = vector.extract_strided_slice %get3A_148 {offsets = [15], sizes = [1], strides = [1]} : vector<16xi32> to vector<1xi32>
      %squeeze3A_358 = vector.extract %slice3A_357[0] : i32 from vector<1xi32>
      %mul3A_359 = arith.constant 16 : i32
      %mul3A_360 = arith.muli %scan3A_142, %mul3A_359 : i32
      %add3A_361 = arith.constant 15 : i32
      %add3A_362 = arith.addi %mul3A_360, %add3A_361 : i32
      %dma_start3A_363 = arith.constant 0 : i32
      %dma_start3A_364 = tpu.memref_slice %arg15[%add3A_362, %dma_start3A_363] : memref<256x64xf32, #tpu.memory_space<vmem>> -> memref<1x64xf32, #tpu.memory_space<vmem>>
      %dma_start3A_365 = arith.constant 0 : i32
      %dma_start3A_366 = tpu.memref_slice %arg6[%squeeze3A_358, %dma_start3A_365] : memref<100000x64xf32, #tpu.memory_space<hbm>> -> memref<1x64xf32, #tpu.memory_space<hbm>>
      %dma_start3A_367 = arith.constant 0 : i32
      %dma_start3A_368 = tpu.memref_slice %arg15[%add3A_362, %dma_start3A_367] : memref<256x64xf32, #tpu.memory_space<vmem>> -> memref<1x64xf32, #tpu.memory_space<vmem>>
      %dma_start3A_369 = arith.constant 0 : i32
      %dma_start3A_370 = tpu.memref_slice %arg6[%squeeze3A_358, %dma_start3A_369] : memref<100000x64xf32, #tpu.memory_space<hbm>> -> memref<1x64xf32, #tpu.memory_space<hbm>>
      tpu.enqueue_dma source(%dma_start3A_370 : memref<1x64xf32, #tpu.memory_space<hbm>>) target(%dma_start3A_368 : memref<1x64xf32, #tpu.memory_space<vmem>>) target_semaphore(%arg17 : memref<!tpu.dma_semaphore, #tpu.memory_space<semaphore_mem>>)
    }
    %scan3A_7 = arith.constant 16 : i32
    %dma_wait3A = arith.constant 0 : i32
    %dma_wait3A_8 = arith.constant 0 : i32
    %dma_wait3A_9 = tpu.memref_slice %arg6[%dma_wait3A, %dma_wait3A_8] : memref<100000x64xf32, #tpu.memory_space<hbm>> -> memref<256x64xf32, #tpu.memory_space<hbm>>
    %dma_wait3A_10 = arith.constant 0 : i32
    %dma_wait3A_11 = arith.constant 0 : i32
    %dma_wait3A_12 = tpu.memref_slice %arg6[%dma_wait3A_10, %dma_wait3A_11] : memref<100000x64xf32, #tpu.memory_space<hbm>> -> memref<256x64xf32, #tpu.memory_space<hbm>>
    tpu.wait_dma2 semaphore(%arg17 : memref<!tpu.dma_semaphore, #tpu.memory_space<semaphore_mem>>) src(%dma_wait3A_12 : memref<256x64xf32, #tpu.memory_space<hbm>>) dst(%arg15 : memref<256x64xf32, #tpu.memory_space<vmem>>)
    %add3A_13 = arith.constant 0 : i32
    %add3A_14 = arith.addi %mul3A_2, %add3A_13 : i32
    "tpu.region"() ({
      %run_scoped3A = tpu.sem_alloc : memref<!tpu.dma_semaphore, #tpu.memory_space<semaphore_mem>>
      %dma_start3A_142 = arith.constant 0 : i32
      %dma_start3A_143 = tpu.memref_slice %arg10[%add3A_14, %dma_start3A_142] : memref<16384x64xf32, #tpu.memory_space<hbm>> -> memref<256x64xf32, #tpu.memory_space<hbm>>
      %dma_start3A_144 = arith.constant 0 : i32
      %dma_start3A_145 = tpu.memref_slice %arg10[%add3A_14, %dma_start3A_144] : memref<16384x64xf32, #tpu.memory_space<hbm>> -> memref<256x64xf32, #tpu.memory_space<hbm>>
      tpu.enqueue_dma source(%arg15 : memref<256x64xf32, #tpu.memory_space<vmem>>) target(%dma_start3A_145 : memref<256x64xf32, #tpu.memory_space<hbm>>) target_semaphore(%run_scoped3A : memref<!tpu.dma_semaphore, #tpu.memory_space<semaphore_mem>>)
      %dma_wait3A_146 = arith.constant 0 : i32
      %dma_wait3A_147 = tpu.memref_slice %arg10[%add3A_14, %dma_wait3A_146] : memref<16384x64xf32, #tpu.memory_space<hbm>> -> memref<256x64xf32, #tpu.memory_space<hbm>>
      %dma_wait3A_148 = arith.constant 0 : i32
      %dma_wait3A_149 = tpu.memref_slice %arg10[%add3A_14, %dma_wait3A_148] : memref<16384x64xf32, #tpu.memory_space<hbm>> -> memref<256x64xf32, #tpu.memory_space<hbm>>
      tpu.wait_dma2 semaphore(%run_scoped3A : memref<!tpu.dma_semaphore, #tpu.memory_space<semaphore_mem>>) src(%arg15 : memref<256x64xf32, #tpu.memory_space<vmem>>) dst(%dma_wait3A_149 : memref<256x64xf32, #tpu.memory_space<hbm>>)
      tpu.yield
    }) : () -> ()
    %scan3A_15 = arith.constant 0 : i32
    %scan3A_16 = arith.constant 0 : i32
    %scan3A_17 = arith.constant 16 : i32
    %scan3A_18 = arith.addi %scan3A_16, %scan3A_17 : i32
    %scan3A_19 = arith.constant 1 : i32
    scf.for %scan3A_142 = %scan3A_16 to %scan3A_18 step %scan3A_19  : i32 {
      %mul3A_143 = arith.constant 16 : i32
      %mul3A_144 = arith.muli %scan3A_142, %mul3A_143 : i32
      %add3A_145 = arith.constant 256 : i32
      %add3A_146 = arith.addi %add3A_145, %mul3A_144 : i32
      %get3A = arith.index_cast %add3A_146 : i32 to index
      %get3A_147 = tpu.vector_load %arg14[%get3A] {strides = array<i32>} : memref<512xi32, #tpu.memory_space<vmem>>, vector<16xi32>,
      %get3A_148 = vector.shape_cast %get3A_147 : vector<16xi32> to vector<16xi32>
      %slice3A = vector.extract_strided_slice %get3A_148 {offsets = [0], sizes = [1], strides = [1]} : vector<16xi32> to vector<1xi32>
      %squeeze3A = vector.extract %slice3A[0] : i32 from vector<1xi32>
      %mul3A_149 = arith.constant 16 : i32
      %mul3A_150 = arith.muli %scan3A_142, %mul3A_149 : i32
      %add3A_151 = arith.constant 0 : i32
      %add3A_152 = arith.addi %mul3A_150, %add3A_151 : i32
      %dma_start3A_153 = arith.constant 0 : i32
      %dma_start3A_154 = tpu.memref_slice %arg15[%add3A_152, %dma_start3A_153] : memref<256x64xf32, #tpu.memory_space<vmem>> -> memref<1x64xf32, #tpu.memory_space<vmem>>
      %dma_start3A_155 = arith.constant 0 : i32
      %dma_start3A_156 = tpu.memref_slice %arg6[%squeeze3A, %dma_start3A_155] : memref<100000x64xf32, #tpu.memory_space<hbm>> -> memref<1x64xf32, #tpu.memory_space<hbm>>
      %dma_start3A_157 = arith.constant 0 : i32
      %dma_start3A_158 = tpu.memref_slice %arg15[%add3A_152, %dma_start3A_157] : memref<256x64xf32, #tpu.memory_space<vmem>> -> memref<1x64xf32, #tpu.memory_space<vmem>>
      %dma_start3A_159 = arith.constant 0 : i32
      %dma_start3A_160 = tpu.memref_slice %arg6[%squeeze3A, %dma_start3A_159] : memref<100000x64xf32, #tpu.memory_space<hbm>> -> memref<1x64xf32, #tpu.memory_space<hbm>>
      tpu.enqueue_dma source(%dma_start3A_160 : memref<1x64xf32, #tpu.memory_space<hbm>>) target(%dma_start3A_158 : memref<1x64xf32, #tpu.memory_space<vmem>>) target_semaphore(%arg17 : memref<!tpu.dma_semaphore, #tpu.memory_space<semaphore_mem>>)
      %slice3A_161 = vector.extract_strided_slice %get3A_148 {offsets = [1], sizes = [1], strides = [1]} : vector<16xi32> to vector<1xi32>
      %squeeze3A_162 = vector.extract %slice3A_161[0] : i32 from vector<1xi32>
      %mul3A_163 = arith.constant 16 : i32
      %mul3A_164 = arith.muli %scan3A_142, %mul3A_163 : i32
      %add3A_165 = arith.constant 1 : i32
      %add3A_166 = arith.addi %mul3A_164, %add3A_165 : i32
      %dma_start3A_167 = arith.constant 0 : i32
      %dma_start3A_168 = tpu.memref_slice %arg15[%add3A_166, %dma_start3A_167] : memref<256x64xf32, #tpu.memory_space<vmem>> -> memref<1x64xf32, #tpu.memory_space<vmem>>
      %dma_start3A_169 = arith.constant 0 : i32
      %dma_start3A_170 = tpu.memref_slice %arg6[%squeeze3A_162, %dma_start3A_169] : memref<100000x64xf32, #tpu.memory_space<hbm>> -> memref<1x64xf32, #tpu.memory_space<hbm>>
      %dma_start3A_171 = arith.constant 0 : i32
      %dma_start3A_172 = tpu.memref_slice %arg15[%add3A_166, %dma_start3A_171] : memref<256x64xf32, #tpu.memory_space<vmem>> -> memref<1x64xf32, #tpu.memory_space<vmem>>
      %dma_start3A_173 = arith.constant 0 : i32
      %dma_start3A_174 = tpu.memref_slice %arg6[%squeeze3A_162, %dma_start3A_173] : memref<100000x64xf32, #tpu.memory_space<hbm>> -> memref<1x64xf32, #tpu.memory_space<hbm>>
      tpu.enqueue_dma source(%dma_start3A_174 : memref<1x64xf32, #tpu.memory_space<hbm>>) target(%dma_start3A_172 : memref<1x64xf32, #tpu.memory_space<vmem>>) target_semaphore(%arg17 : memref<!tpu.dma_semaphore, #tpu.memory_space<semaphore_mem>>)
      %slice3A_175 = vector.extract_strided_slice %get3A_148 {offsets = [2], sizes = [1], strides = [1]} : vector<16xi32> to vector<1xi32>
      %squeeze3A_176 = vector.extract %slice3A_175[0] : i32 from vector<1xi32>
      %mul3A_177 = arith.constant 16 : i32
      %mul3A_178 = arith.muli %scan3A_142, %mul3A_177 : i32
      %add3A_179 = arith.constant 2 : i32
      %add3A_180 = arith.addi %mul3A_178, %add3A_179 : i32
      %dma_start3A_181 = arith.constant 0 : i32
      %dma_start3A_182 = tpu.memref_slice %arg15[%add3A_180, %dma_start3A_181] : memref<256x64xf32, #tpu.memory_space<vmem>> -> memref<1x64xf32, #tpu.memory_space<vmem>>
      %dma_start3A_183 = arith.constant 0 : i32
      %dma_start3A_184 = tpu.memref_slice %arg6[%squeeze3A_176, %dma_start3A_183] : memref<100000x64xf32, #tpu.memory_space<hbm>> -> memref<1x64xf32, #tpu.memory_space<hbm>>
      %dma_start3A_185 = arith.constant 0 : i32
      %dma_start3A_186 = tpu.memref_slice %arg15[%add3A_180, %dma_start3A_185] : memref<256x64xf32, #tpu.memory_space<vmem>> -> memref<1x64xf32, #tpu.memory_space<vmem>>
      %dma_start3A_187 = arith.constant 0 : i32
      %dma_start3A_188 = tpu.memref_slice %arg6[%squeeze3A_176, %dma_start3A_187] : memref<100000x64xf32, #tpu.memory_space<hbm>> -> memref<1x64xf32, #tpu.memory_space<hbm>>
      tpu.enqueue_dma source(%dma_start3A_188 : memref<1x64xf32, #tpu.memory_space<hbm>>) target(%dma_start3A_186 : memref<1x64xf32, #tpu.memory_space<vmem>>) target_semaphore(%arg17 : memref<!tpu.dma_semaphore, #tpu.memory_space<semaphore_mem>>)
      %slice3A_189 = vector.extract_strided_slice %get3A_148 {offsets = [3], sizes = [1], strides = [1]} : vector<16xi32> to vector<1xi32>
      %squeeze3A_190 = vector.extract %slice3A_189[0] : i32 from vector<1xi32>
      %mul3A_191 = arith.constant 16 : i32
      %mul3A_192 = arith.muli %scan3A_142, %mul3A_191 : i32
      %add3A_193 = arith.constant 3 : i32
      %add3A_194 = arith.addi %mul3A_192, %add3A_193 : i32
      %dma_start3A_195 = arith.constant 0 : i32
      %dma_start3A_196 = tpu.memref_slice %arg15[%add3A_194, %dma_start3A_195] : memref<256x64xf32, #tpu.memory_space<vmem>> -> memref<1x64xf32, #tpu.memory_space<vmem>>
      %dma_start3A_197 = arith.constant 0 : i32
      %dma_start3A_198 = tpu.memref_slice %arg6[%squeeze3A_190, %dma_start3A_197] : memref<100000x64xf32, #tpu.memory_space<hbm>> -> memref<1x64xf32, #tpu.memory_space<hbm>>
      %dma_start3A_199 = arith.constant 0 : i32
      %dma_start3A_200 = tpu.memref_slice %arg15[%add3A_194, %dma_start3A_199] : memref<256x64xf32, #tpu.memory_space<vmem>> -> memref<1x64xf32, #tpu.memory_space<vmem>>
      %dma_start3A_201 = arith.constant 0 : i32
      %dma_start3A_202 = tpu.memref_slice %arg6[%squeeze3A_190, %dma_start3A_201] : memref<100000x64xf32, #tpu.memory_space<hbm>> -> memref<1x64xf32, #tpu.memory_space<hbm>>
      tpu.enqueue_dma source(%dma_start3A_202 : memref<1x64xf32, #tpu.memory_space<hbm>>) target(%dma_start3A_200 : memref<1x64xf32, #tpu.memory_space<vmem>>) target_semaphore(%arg17 : memref<!tpu.dma_semaphore, #tpu.memory_space<semaphore_mem>>)
      %slice3A_203 = vector.extract_strided_slice %get3A_148 {offsets = [4], sizes = [1], strides = [1]} : vector<16xi32> to vector<1xi32>
      %squeeze3A_204 = vector.extract %slice3A_203[0] : i32 from vector<1xi32>
      %mul3A_205 = arith.constant 16 : i32
      %mul3A_206 = arith.muli %scan3A_142, %mul3A_205 : i32
      %add3A_207 = arith.constant 4 : i32
      %add3A_208 = arith.addi %mul3A_206, %add3A_207 : i32
      %dma_start3A_209 = arith.constant 0 : i32
      %dma_start3A_210 = tpu.memref_slice %arg15[%add3A_208, %dma_start3A_209] : memref<256x64xf32, #tpu.memory_space<vmem>> -> memref<1x64xf32, #tpu.memory_space<vmem>>
      %dma_start3A_211 = arith.constant 0 : i32
      %dma_start3A_212 = tpu.memref_slice %arg6[%squeeze3A_204, %dma_start3A_211] : memref<100000x64xf32, #tpu.memory_space<hbm>> -> memref<1x64xf32, #tpu.memory_space<hbm>>
      %dma_start3A_213 = arith.constant 0 : i32
      %dma_start3A_214 = tpu.memref_slice %arg15[%add3A_208, %dma_start3A_213] : memref<256x64xf32, #tpu.memory_space<vmem>> -> memref<1x64xf32, #tpu.memory_space<vmem>>
      %dma_start3A_215 = arith.constant 0 : i32
      %dma_start3A_216 = tpu.memref_slice %arg6[%squeeze3A_204, %dma_start3A_215] : memref<100000x64xf32, #tpu.memory_space<hbm>> -> memref<1x64xf32, #tpu.memory_space<hbm>>
      tpu.enqueue_dma source(%dma_start3A_216 : memref<1x64xf32, #tpu.memory_space<hbm>>) target(%dma_start3A_214 : memref<1x64xf32, #tpu.memory_space<vmem>>) target_semaphore(%arg17 : memref<!tpu.dma_semaphore, #tpu.memory_space<semaphore_mem>>)
      %slice3A_217 = vector.extract_strided_slice %get3A_148 {offsets = [5], sizes = [1], strides = [1]} : vector<16xi32> to vector<1xi32>
      %squeeze3A_218 = vector.extract %slice3A_217[0] : i32 from vector<1xi32>
      %mul3A_219 = arith.constant 16 : i32
      %mul3A_220 = arith.muli %scan3A_142, %mul3A_219 : i32
      %add3A_221 = arith.constant 5 : i32
      %add3A_222 = arith.addi %mul3A_220, %add3A_221 : i32
      %dma_start3A_223 = arith.constant 0 : i32
      %dma_start3A_224 = tpu.memref_slice %arg15[%add3A_222, %dma_start3A_223] : memref<256x64xf32, #tpu.memory_space<vmem>> -> memref<1x64xf32, #tpu.memory_space<vmem>>
      %dma_start3A_225 = arith.constant 0 : i32
      %dma_start3A_226 = tpu.memref_slice %arg6[%squeeze3A_218, %dma_start3A_225] : memref<100000x64xf32, #tpu.memory_space<hbm>> -> memref<1x64xf32, #tpu.memory_space<hbm>>
      %dma_start3A_227 = arith.constant 0 : i32
      %dma_start3A_228 = tpu.memref_slice %arg15[%add3A_222, %dma_start3A_227] : memref<256x64xf32, #tpu.memory_space<vmem>> -> memref<1x64xf32, #tpu.memory_space<vmem>>
      %dma_start3A_229 = arith.constant 0 : i32
      %dma_start3A_230 = tpu.memref_slice %arg6[%squeeze3A_218, %dma_start3A_229] : memref<100000x64xf32, #tpu.memory_space<hbm>> -> memref<1x64xf32, #tpu.memory_space<hbm>>
      tpu.enqueue_dma source(%dma_start3A_230 : memref<1x64xf32, #tpu.memory_space<hbm>>) target(%dma_start3A_228 : memref<1x64xf32, #tpu.memory_space<vmem>>) target_semaphore(%arg17 : memref<!tpu.dma_semaphore, #tpu.memory_space<semaphore_mem>>)
      %slice3A_231 = vector.extract_strided_slice %get3A_148 {offsets = [6], sizes = [1], strides = [1]} : vector<16xi32> to vector<1xi32>
      %squeeze3A_232 = vector.extract %slice3A_231[0] : i32 from vector<1xi32>
      %mul3A_233 = arith.constant 16 : i32
      %mul3A_234 = arith.muli %scan3A_142, %mul3A_233 : i32
      %add3A_235 = arith.constant 6 : i32
      %add3A_236 = arith.addi %mul3A_234, %add3A_235 : i32
      %dma_start3A_237 = arith.constant 0 : i32
      %dma_start3A_238 = tpu.memref_slice %arg15[%add3A_236, %dma_start3A_237] : memref<256x64xf32, #tpu.memory_space<vmem>> -> memref<1x64xf32, #tpu.memory_space<vmem>>
      %dma_start3A_239 = arith.constant 0 : i32
      %dma_start3A_240 = tpu.memref_slice %arg6[%squeeze3A_232, %dma_start3A_239] : memref<100000x64xf32, #tpu.memory_space<hbm>> -> memref<1x64xf32, #tpu.memory_space<hbm>>
      %dma_start3A_241 = arith.constant 0 : i32
      %dma_start3A_242 = tpu.memref_slice %arg15[%add3A_236, %dma_start3A_241] : memref<256x64xf32, #tpu.memory_space<vmem>> -> memref<1x64xf32, #tpu.memory_space<vmem>>
      %dma_start3A_243 = arith.constant 0 : i32
      %dma_start3A_244 = tpu.memref_slice %arg6[%squeeze3A_232, %dma_start3A_243] : memref<100000x64xf32, #tpu.memory_space<hbm>> -> memref<1x64xf32, #tpu.memory_space<hbm>>
      tpu.enqueue_dma source(%dma_start3A_244 : memref<1x64xf32, #tpu.memory_space<hbm>>) target(%dma_start3A_242 : memref<1x64xf32, #tpu.memory_space<vmem>>) target_semaphore(%arg17 : memref<!tpu.dma_semaphore, #tpu.memory_space<semaphore_mem>>)
      %slice3A_245 = vector.extract_strided_slice %get3A_148 {offsets = [7], sizes = [1], strides = [1]} : vector<16xi32> to vector<1xi32>
      %squeeze3A_246 = vector.extract %slice3A_245[0] : i32 from vector<1xi32>
      %mul3A_247 = arith.constant 16 : i32
      %mul3A_248 = arith.muli %scan3A_142, %mul3A_247 : i32
      %add3A_249 = arith.constant 7 : i32
      %add3A_250 = arith.addi %mul3A_248, %add3A_249 : i32
      %dma_start3A_251 = arith.constant 0 : i32
      %dma_start3A_252 = tpu.memref_slice %arg15[%add3A_250, %dma_start3A_251] : memref<256x64xf32, #tpu.memory_space<vmem>> -> memref<1x64xf32, #tpu.memory_space<vmem>>
      %dma_start3A_253 = arith.constant 0 : i32
      %dma_start3A_254 = tpu.memref_slice %arg6[%squeeze3A_246, %dma_start3A_253] : memref<100000x64xf32, #tpu.memory_space<hbm>> -> memref<1x64xf32, #tpu.memory_space<hbm>>
      %dma_start3A_255 = arith.constant 0 : i32
      %dma_start3A_256 = tpu.memref_slice %arg15[%add3A_250, %dma_start3A_255] : memref<256x64xf32, #tpu.memory_space<vmem>> -> memref<1x64xf32, #tpu.memory_space<vmem>>
      %dma_start3A_257 = arith.constant 0 : i32
      %dma_start3A_258 = tpu.memref_slice %arg6[%squeeze3A_246, %dma_start3A_257] : memref<100000x64xf32, #tpu.memory_space<hbm>> -> memref<1x64xf32, #tpu.memory_space<hbm>>
      tpu.enqueue_dma source(%dma_start3A_258 : memref<1x64xf32, #tpu.memory_space<hbm>>) target(%dma_start3A_256 : memref<1x64xf32, #tpu.memory_space<vmem>>) target_semaphore(%arg17 : memref<!tpu.dma_semaphore, #tpu.memory_space<semaphore_mem>>)
      %slice3A_259 = vector.extract_strided_slice %get3A_148 {offsets = [8], sizes = [1], strides = [1]} : vector<16xi32> to vector<1xi32>
      %squeeze3A_260 = vector.extract %slice3A_259[0] : i32 from vector<1xi32>
      %mul3A_261 = arith.constant 16 : i32
      %mul3A_262 = arith.muli %scan3A_142, %mul3A_261 : i32
      %add3A_263 = arith.constant 8 : i32
      %add3A_264 = arith.addi %mul3A_262, %add3A_263 : i32
      %dma_start3A_265 = arith.constant 0 : i32
      %dma_start3A_266 = tpu.memref_slice %arg15[%add3A_264, %dma_start3A_265] : memref<256x64xf32, #tpu.memory_space<vmem>> -> memref<1x64xf32, #tpu.memory_space<vmem>>
      %dma_start3A_267 = arith.constant 0 : i32
      %dma_start3A_268 = tpu.memref_slice %arg6[%squeeze3A_260, %dma_start3A_267] : memref<100000x64xf32, #tpu.memory_space<hbm>> -> memref<1x64xf32, #tpu.memory_space<hbm>>
      %dma_start3A_269 = arith.constant 0 : i32
      %dma_start3A_270 = tpu.memref_slice %arg15[%add3A_264, %dma_start3A_269] : memref<256x64xf32, #tpu.memory_space<vmem>> -> memref<1x64xf32, #tpu.memory_space<vmem>>
      %dma_start3A_271 = arith.constant 0 : i32
      %dma_start3A_272 = tpu.memref_slice %arg6[%squeeze3A_260, %dma_start3A_271] : memref<100000x64xf32, #tpu.memory_space<hbm>> -> memref<1x64xf32, #tpu.memory_space<hbm>>
      tpu.enqueue_dma source(%dma_start3A_272 : memref<1x64xf32, #tpu.memory_space<hbm>>) target(%dma_start3A_270 : memref<1x64xf32, #tpu.memory_space<vmem>>) target_semaphore(%arg17 : memref<!tpu.dma_semaphore, #tpu.memory_space<semaphore_mem>>)
      %slice3A_273 = vector.extract_strided_slice %get3A_148 {offsets = [9], sizes = [1], strides = [1]} : vector<16xi32> to vector<1xi32>
      %squeeze3A_274 = vector.extract %slice3A_273[0] : i32 from vector<1xi32>
      %mul3A_275 = arith.constant 16 : i32
      %mul3A_276 = arith.muli %scan3A_142, %mul3A_275 : i32
      %add3A_277 = arith.constant 9 : i32
      %add3A_278 = arith.addi %mul3A_276, %add3A_277 : i32
      %dma_start3A_279 = arith.constant 0 : i32
      %dma_start3A_280 = tpu.memref_slice %arg15[%add3A_278, %dma_start3A_279] : memref<256x64xf32, #tpu.memory_space<vmem>> -> memref<1x64xf32, #tpu.memory_space<vmem>>
      %dma_start3A_281 = arith.constant 0 : i32
      %dma_start3A_282 = tpu.memref_slice %arg6[%squeeze3A_274, %dma_start3A_281] : memref<100000x64xf32, #tpu.memory_space<hbm>> -> memref<1x64xf32, #tpu.memory_space<hbm>>
      %dma_start3A_283 = arith.constant 0 : i32
      %dma_start3A_284 = tpu.memref_slice %arg15[%add3A_278, %dma_start3A_283] : memref<256x64xf32, #tpu.memory_space<vmem>> -> memref<1x64xf32, #tpu.memory_space<vmem>>
      %dma_start3A_285 = arith.constant 0 : i32
      %dma_start3A_286 = tpu.memref_slice %arg6[%squeeze3A_274, %dma_start3A_285] : memref<100000x64xf32, #tpu.memory_space<hbm>> -> memref<1x64xf32, #tpu.memory_space<hbm>>
      tpu.enqueue_dma source(%dma_start3A_286 : memref<1x64xf32, #tpu.memory_space<hbm>>) target(%dma_start3A_284 : memref<1x64xf32, #tpu.memory_space<vmem>>) target_semaphore(%arg17 : memref<!tpu.dma_semaphore, #tpu.memory_space<semaphore_mem>>)
      %slice3A_287 = vector.extract_strided_slice %get3A_148 {offsets = [10], sizes = [1], strides = [1]} : vector<16xi32> to vector<1xi32>
      %squeeze3A_288 = vector.extract %slice3A_287[0] : i32 from vector<1xi32>
      %mul3A_289 = arith.constant 16 : i32
      %mul3A_290 = arith.muli %scan3A_142, %mul3A_289 : i32
      %add3A_291 = arith.constant 10 : i32
      %add3A_292 = arith.addi %mul3A_290, %add3A_291 : i32
      %dma_start3A_293 = arith.constant 0 : i32
      %dma_start3A_294 = tpu.memref_slice %arg15[%add3A_292, %dma_start3A_293] : memref<256x64xf32, #tpu.memory_space<vmem>> -> memref<1x64xf32, #tpu.memory_space<vmem>>
      %dma_start3A_295 = arith.constant 0 : i32
      %dma_start3A_296 = tpu.memref_slice %arg6[%squeeze3A_288, %dma_start3A_295] : memref<100000x64xf32, #tpu.memory_space<hbm>> -> memref<1x64xf32, #tpu.memory_space<hbm>>
      %dma_start3A_297 = arith.constant 0 : i32
      %dma_start3A_298 = tpu.memref_slice %arg15[%add3A_292, %dma_start3A_297] : memref<256x64xf32, #tpu.memory_space<vmem>> -> memref<1x64xf32, #tpu.memory_space<vmem>>
      %dma_start3A_299 = arith.constant 0 : i32
      %dma_start3A_300 = tpu.memref_slice %arg6[%squeeze3A_288, %dma_start3A_299] : memref<100000x64xf32, #tpu.memory_space<hbm>> -> memref<1x64xf32, #tpu.memory_space<hbm>>
      tpu.enqueue_dma source(%dma_start3A_300 : memref<1x64xf32, #tpu.memory_space<hbm>>) target(%dma_start3A_298 : memref<1x64xf32, #tpu.memory_space<vmem>>) target_semaphore(%arg17 : memref<!tpu.dma_semaphore, #tpu.memory_space<semaphore_mem>>)
      %slice3A_301 = vector.extract_strided_slice %get3A_148 {offsets = [11], sizes = [1], strides = [1]} : vector<16xi32> to vector<1xi32>
      %squeeze3A_302 = vector.extract %slice3A_301[0] : i32 from vector<1xi32>
      %mul3A_303 = arith.constant 16 : i32
      %mul3A_304 = arith.muli %scan3A_142, %mul3A_303 : i32
      %add3A_305 = arith.constant 11 : i32
      %add3A_306 = arith.addi %mul3A_304, %add3A_305 : i32
      %dma_start3A_307 = arith.constant 0 : i32
      %dma_start3A_308 = tpu.memref_slice %arg15[%add3A_306, %dma_start3A_307] : memref<256x64xf32, #tpu.memory_space<vmem>> -> memref<1x64xf32, #tpu.memory_space<vmem>>
      %dma_start3A_309 = arith.constant 0 : i32
      %dma_start3A_310 = tpu.memref_slice %arg6[%squeeze3A_302, %dma_start3A_309] : memref<100000x64xf32, #tpu.memory_space<hbm>> -> memref<1x64xf32, #tpu.memory_space<hbm>>
      %dma_start3A_311 = arith.constant 0 : i32
      %dma_start3A_312 = tpu.memref_slice %arg15[%add3A_306, %dma_start3A_311] : memref<256x64xf32, #tpu.memory_space<vmem>> -> memref<1x64xf32, #tpu.memory_space<vmem>>
      %dma_start3A_313 = arith.constant 0 : i32
      %dma_start3A_314 = tpu.memref_slice %arg6[%squeeze3A_302, %dma_start3A_313] : memref<100000x64xf32, #tpu.memory_space<hbm>> -> memref<1x64xf32, #tpu.memory_space<hbm>>
      tpu.enqueue_dma source(%dma_start3A_314 : memref<1x64xf32, #tpu.memory_space<hbm>>) target(%dma_start3A_312 : memref<1x64xf32, #tpu.memory_space<vmem>>) target_semaphore(%arg17 : memref<!tpu.dma_semaphore, #tpu.memory_space<semaphore_mem>>)
      %slice3A_315 = vector.extract_strided_slice %get3A_148 {offsets = [12], sizes = [1], strides = [1]} : vector<16xi32> to vector<1xi32>
      %squeeze3A_316 = vector.extract %slice3A_315[0] : i32 from vector<1xi32>
      %mul3A_317 = arith.constant 16 : i32
      %mul3A_318 = arith.muli %scan3A_142, %mul3A_317 : i32
      %add3A_319 = arith.constant 12 : i32
      %add3A_320 = arith.addi %mul3A_318, %add3A_319 : i32
      %dma_start3A_321 = arith.constant 0 : i32
      %dma_start3A_322 = tpu.memref_slice %arg15[%add3A_320, %dma_start3A_321] : memref<256x64xf32, #tpu.memory_space<vmem>> -> memref<1x64xf32, #tpu.memory_space<vmem>>
      %dma_start3A_323 = arith.constant 0 : i32
      %dma_start3A_324 = tpu.memref_slice %arg6[%squeeze3A_316, %dma_start3A_323] : memref<100000x64xf32, #tpu.memory_space<hbm>> -> memref<1x64xf32, #tpu.memory_space<hbm>>
      %dma_start3A_325 = arith.constant 0 : i32
      %dma_start3A_326 = tpu.memref_slice %arg15[%add3A_320, %dma_start3A_325] : memref<256x64xf32, #tpu.memory_space<vmem>> -> memref<1x64xf32, #tpu.memory_space<vmem>>
      %dma_start3A_327 = arith.constant 0 : i32
      %dma_start3A_328 = tpu.memref_slice %arg6[%squeeze3A_316, %dma_start3A_327] : memref<100000x64xf32, #tpu.memory_space<hbm>> -> memref<1x64xf32, #tpu.memory_space<hbm>>
      tpu.enqueue_dma source(%dma_start3A_328 : memref<1x64xf32, #tpu.memory_space<hbm>>) target(%dma_start3A_326 : memref<1x64xf32, #tpu.memory_space<vmem>>) target_semaphore(%arg17 : memref<!tpu.dma_semaphore, #tpu.memory_space<semaphore_mem>>)
      %slice3A_329 = vector.extract_strided_slice %get3A_148 {offsets = [13], sizes = [1], strides = [1]} : vector<16xi32> to vector<1xi32>
      %squeeze3A_330 = vector.extract %slice3A_329[0] : i32 from vector<1xi32>
      %mul3A_331 = arith.constant 16 : i32
      %mul3A_332 = arith.muli %scan3A_142, %mul3A_331 : i32
      %add3A_333 = arith.constant 13 : i32
      %add3A_334 = arith.addi %mul3A_332, %add3A_333 : i32
      %dma_start3A_335 = arith.constant 0 : i32
      %dma_start3A_336 = tpu.memref_slice %arg15[%add3A_334, %dma_start3A_335] : memref<256x64xf32, #tpu.memory_space<vmem>> -> memref<1x64xf32, #tpu.memory_space<vmem>>
      %dma_start3A_337 = arith.constant 0 : i32
      %dma_start3A_338 = tpu.memref_slice %arg6[%squeeze3A_330, %dma_start3A_337] : memref<100000x64xf32, #tpu.memory_space<hbm>> -> memref<1x64xf32, #tpu.memory_space<hbm>>
      %dma_start3A_339 = arith.constant 0 : i32
      %dma_start3A_340 = tpu.memref_slice %arg15[%add3A_334, %dma_start3A_339] : memref<256x64xf32, #tpu.memory_space<vmem>> -> memref<1x64xf32, #tpu.memory_space<vmem>>
      %dma_start3A_341 = arith.constant 0 : i32
      %dma_start3A_342 = tpu.memref_slice %arg6[%squeeze3A_330, %dma_start3A_341] : memref<100000x64xf32, #tpu.memory_space<hbm>> -> memref<1x64xf32, #tpu.memory_space<hbm>>
      tpu.enqueue_dma source(%dma_start3A_342 : memref<1x64xf32, #tpu.memory_space<hbm>>) target(%dma_start3A_340 : memref<1x64xf32, #tpu.memory_space<vmem>>) target_semaphore(%arg17 : memref<!tpu.dma_semaphore, #tpu.memory_space<semaphore_mem>>)
      %slice3A_343 = vector.extract_strided_slice %get3A_148 {offsets = [14], sizes = [1], strides = [1]} : vector<16xi32> to vector<1xi32>
      %squeeze3A_344 = vector.extract %slice3A_343[0] : i32 from vector<1xi32>
      %mul3A_345 = arith.constant 16 : i32
      %mul3A_346 = arith.muli %scan3A_142, %mul3A_345 : i32
      %add3A_347 = arith.constant 14 : i32
      %add3A_348 = arith.addi %mul3A_346, %add3A_347 : i32
      %dma_start3A_349 = arith.constant 0 : i32
      %dma_start3A_350 = tpu.memref_slice %arg15[%add3A_348, %dma_start3A_349] : memref<256x64xf32, #tpu.memory_space<vmem>> -> memref<1x64xf32, #tpu.memory_space<vmem>>
      %dma_start3A_351 = arith.constant 0 : i32
      %dma_start3A_352 = tpu.memref_slice %arg6[%squeeze3A_344, %dma_start3A_351] : memref<100000x64xf32, #tpu.memory_space<hbm>> -> memref<1x64xf32, #tpu.memory_space<hbm>>
      %dma_start3A_353 = arith.constant 0 : i32
      %dma_start3A_354 = tpu.memref_slice %arg15[%add3A_348, %dma_start3A_353] : memref<256x64xf32, #tpu.memory_space<vmem>> -> memref<1x64xf32, #tpu.memory_space<vmem>>
      %dma_start3A_355 = arith.constant 0 : i32
      %dma_start3A_356 = tpu.memref_slice %arg6[%squeeze3A_344, %dma_start3A_355] : memref<100000x64xf32, #tpu.memory_space<hbm>> -> memref<1x64xf32, #tpu.memory_space<hbm>>
      tpu.enqueue_dma source(%dma_start3A_356 : memref<1x64xf32, #tpu.memory_space<hbm>>) target(%dma_start3A_354 : memref<1x64xf32, #tpu.memory_space<vmem>>) target_semaphore(%arg17 : memref<!tpu.dma_semaphore, #tpu.memory_space<semaphore_mem>>)
      %slice3A_357 = vector.extract_strided_slice %get3A_148 {offsets = [15], sizes = [1], strides = [1]} : vector<16xi32> to vector<1xi32>
      %squeeze3A_358 = vector.extract %slice3A_357[0] : i32 from vector<1xi32>
      %mul3A_359 = arith.constant 16 : i32
      %mul3A_360 = arith.muli %scan3A_142, %mul3A_359 : i32
      %add3A_361 = arith.constant 15 : i32
      %add3A_362 = arith.addi %mul3A_360, %add3A_361 : i32
      %dma_start3A_363 = arith.constant 0 : i32
      %dma_start3A_364 = tpu.memref_slice %arg15[%add3A_362, %dma_start3A_363] : memref<256x64xf32, #tpu.memory_space<vmem>> -> memref<1x64xf32, #tpu.memory_space<vmem>>
      %dma_start3A_365 = arith.constant 0 : i32
      %dma_start3A_366 = tpu.memref_slice %arg6[%squeeze3A_358, %dma_start3A_365] : memref<100000x64xf32, #tpu.memory_space<hbm>> -> memref<1x64xf32, #tpu.memory_space<hbm>>
      %dma_start3A_367 = arith.constant 0 : i32
      %dma_start3A_368 = tpu.memref_slice %arg15[%add3A_362, %dma_start3A_367] : memref<256x64xf32, #tpu.memory_space<vmem>> -> memref<1x64xf32, #tpu.memory_space<vmem>>
      %dma_start3A_369 = arith.constant 0 : i32
      %dma_start3A_370 = tpu.memref_slice %arg6[%squeeze3A_358, %dma_start3A_369] : memref<100000x64xf32, #tpu.memory_space<hbm>> -> memref<1x64xf32, #tpu.memory_space<hbm>>
      tpu.enqueue_dma source(%dma_start3A_370 : memref<1x64xf32, #tpu.memory_space<hbm>>) target(%dma_start3A_368 : memref<1x64xf32, #tpu.memory_space<vmem>>) target_semaphore(%arg17 : memref<!tpu.dma_semaphore, #tpu.memory_space<semaphore_mem>>)
    }
    %scan3A_20 = arith.constant 16 : i32
    %dma_wait3A_21 = arith.constant 0 : i32
    %dma_wait3A_22 = arith.constant 0 : i32
    %dma_wait3A_23 = tpu.memref_slice %arg6[%dma_wait3A_21, %dma_wait3A_22] : memref<100000x64xf32, #tpu.memory_space<hbm>> -> memref<256x64xf32, #tpu.memory_space<hbm>>
    %dma_wait3A_24 = arith.constant 0 : i32
    %dma_wait3A_25 = arith.constant 0 : i32
    %dma_wait3A_26 = tpu.memref_slice %arg6[%dma_wait3A_24, %dma_wait3A_25] : memref<100000x64xf32, #tpu.memory_space<hbm>> -> memref<256x64xf32, #tpu.memory_space<hbm>>
    tpu.wait_dma2 semaphore(%arg17 : memref<!tpu.dma_semaphore, #tpu.memory_space<semaphore_mem>>) src(%dma_wait3A_26 : memref<256x64xf32, #tpu.memory_space<hbm>>) dst(%arg15 : memref<256x64xf32, #tpu.memory_space<vmem>>)
    %add3A_27 = arith.constant 256 : i32
    %add3A_28 = arith.addi %mul3A_2, %add3A_27 : i32
    "tpu.region"() ({
      %run_scoped3A = tpu.sem_alloc : memref<!tpu.dma_semaphore, #tpu.memory_space<semaphore_mem>>
      %dma_start3A_142 = arith.constant 0 : i32
      %dma_start3A_143 = tpu.memref_slice %arg10[%add3A_28, %dma_start3A_142] : memref<16384x64xf32, #tpu.memory_space<hbm>> -> memref<256x64xf32, #tpu.memory_space<hbm>>
      %dma_start3A_144 = arith.constant 0 : i32
      %dma_start3A_145 = tpu.memref_slice %arg10[%add3A_28, %dma_start3A_144] : memref<16384x64xf32, #tpu.memory_space<hbm>> -> memref<256x64xf32, #tpu.memory_space<hbm>>
      tpu.enqueue_dma source(%arg15 : memref<256x64xf32, #tpu.memory_space<vmem>>) target(%dma_start3A_145 : memref<256x64xf32, #tpu.memory_space<hbm>>) target_semaphore(%run_scoped3A : memref<!tpu.dma_semaphore, #tpu.memory_space<semaphore_mem>>)
      %dma_wait3A_146 = arith.constant 0 : i32
      %dma_wait3A_147 = tpu.memref_slice %arg10[%add3A_28, %dma_wait3A_146] : memref<16384x64xf32, #tpu.memory_space<hbm>> -> memref<256x64xf32, #tpu.memory_space<hbm>>
      %dma_wait3A_148 = arith.constant 0 : i32
      %dma_wait3A_149 = tpu.memref_slice %arg10[%add3A_28, %dma_wait3A_148] : memref<16384x64xf32, #tpu.memory_space<hbm>> -> memref<256x64xf32, #tpu.memory_space<hbm>>
      tpu.wait_dma2 semaphore(%run_scoped3A : memref<!tpu.dma_semaphore, #tpu.memory_space<semaphore_mem>>) src(%arg15 : memref<256x64xf32, #tpu.memory_space<vmem>>) dst(%dma_wait3A_149 : memref<256x64xf32, #tpu.memory_space<hbm>>)
      tpu.yield
    }) : () -> ()
    "tpu.region"() ({
      %run_scoped3A = tpu.sem_alloc : memref<!tpu.dma_semaphore, #tpu.memory_space<semaphore_mem>>
      %dma_start3A_142 = tpu.memref_slice %arg3[%mul3A_2] : memref<16384xi32, #tpu.memory_space<hbm>> -> memref<512xi32, #tpu.memory_space<hbm>>
      %dma_start3A_143 = tpu.memref_slice %arg3[%mul3A_2] : memref<16384xi32, #tpu.memory_space<hbm>> -> memref<512xi32, #tpu.memory_space<hbm>>
      tpu.enqueue_dma source(%dma_start3A_143 : memref<512xi32, #tpu.memory_space<hbm>>) target(%arg14 : memref<512xi32, #tpu.memory_space<vmem>>) target_semaphore(%run_scoped3A : memref<!tpu.dma_semaphore, #tpu.memory_space<semaphore_mem>>)
      %dma_wait3A_144 = tpu.memref_slice %arg3[%mul3A_2] : memref<16384xi32, #tpu.memory_space<hbm>> -> memref<512xi32, #tpu.memory_space<hbm>>
      %dma_wait3A_145 = tpu.memref_slice %arg3[%mul3A_2] : memref<16384xi32, #tpu.memory_space<hbm>> -> memref<512xi32, #tpu.memory_space<hbm>>
      tpu.wait_dma2 semaphore(%run_scoped3A : memref<!tpu.dma_semaphore, #tpu.memory_space<semaphore_mem>>) src(%dma_wait3A_145 : memref<512xi32, #tpu.memory_space<hbm>>) dst(%arg14 : memref<512xi32, #tpu.memory_space<vmem>>)
      tpu.yield
    }) : () -> ()
    %dma_start3A = arith.constant 0 : i32
    %dma_start3A_29 = arith.constant 0 : i32
    %dma_start3A_30 = tpu.memref_slice %arg16[%dma_start3A, %dma_start3A_29] : memref<512x128xf32, #tpu.memory_space<vmem>> -> memref<128x128xf32, #tpu.memory_space<vmem>>
    %dma_start3A_31 = arith.constant 0 : i32
    %dma_start3A_32 = tpu.memref_slice %arg14[%dma_start3A_31] : memref<512xi32, #tpu.memory_space<vmem>> -> memref<128xi32, #tpu.memory_space<vmem>>
    %dma_start3A_33 = arith.constant 0 : i32
    %dma_start3A_34 = arith.constant 0 : i32
    %dma_start3A_35 = tpu.memref_slice %arg7[%dma_start3A_33, %dma_start3A_34] : memref<1000x128xf32, #tpu.memory_space<hbm>> -> memref<1000x128xf32, #tpu.memory_space<hbm>>
    tpu.enqueue_indirect_dma source(%dma_start3A_35 : memref<1000x128xf32, #tpu.memory_space<hbm>>) target(%dma_start3A_30 : memref<128x128xf32, #tpu.memory_space<vmem>>) offsets(%dma_start3A_32 : memref<128xi32, #tpu.memory_space<vmem>>) semaphore(%arg18 : memref<!tpu.dma_semaphore, #tpu.memory_space<semaphore_mem>>)
    %dma_start3A_36 = arith.constant 128 : i32
    %dma_start3A_37 = arith.constant 0 : i32
    %dma_start3A_38 = tpu.memref_slice %arg16[%dma_start3A_36, %dma_start3A_37] : memref<512x128xf32, #tpu.memory_space<vmem>> -> memref<128x128xf32, #tpu.memory_space<vmem>>
    %dma_start3A_39 = arith.constant 128 : i32
    %dma_start3A_40 = tpu.memref_slice %arg14[%dma_start3A_39] : memref<512xi32, #tpu.memory_space<vmem>> -> memref<128xi32, #tpu.memory_space<vmem>>
    %dma_start3A_41 = arith.constant 0 : i32
    %dma_start3A_42 = arith.constant 0 : i32
    %dma_start3A_43 = tpu.memref_slice %arg7[%dma_start3A_41, %dma_start3A_42] : memref<1000x128xf32, #tpu.memory_space<hbm>> -> memref<1000x128xf32, #tpu.memory_space<hbm>>
    tpu.enqueue_indirect_dma source(%dma_start3A_43 : memref<1000x128xf32, #tpu.memory_space<hbm>>) target(%dma_start3A_38 : memref<128x128xf32, #tpu.memory_space<vmem>>) offsets(%dma_start3A_40 : memref<128xi32, #tpu.memory_space<vmem>>) semaphore(%arg18 : memref<!tpu.dma_semaphore, #tpu.memory_space<semaphore_mem>>)
    %dma_start3A_44 = arith.constant 256 : i32
    %dma_start3A_45 = arith.constant 0 : i32
    %dma_start3A_46 = tpu.memref_slice %arg16[%dma_start3A_44, %dma_start3A_45] : memref<512x128xf32, #tpu.memory_space<vmem>> -> memref<128x128xf32, #tpu.memory_space<vmem>>
    %dma_start3A_47 = arith.constant 256 : i32
    %dma_start3A_48 = tpu.memref_slice %arg14[%dma_start3A_47] : memref<512xi32, #tpu.memory_space<vmem>> -> memref<128xi32, #tpu.memory_space<vmem>>
    %dma_start3A_49 = arith.constant 0 : i32
    %dma_start3A_50 = arith.constant 0 : i32
    %dma_start3A_51 = tpu.memref_slice %arg7[%dma_start3A_49, %dma_start3A_50] : memref<1000x128xf32, #tpu.memory_space<hbm>> -> memref<1000x128xf32, #tpu.memory_space<hbm>>
    tpu.enqueue_indirect_dma source(%dma_start3A_51 : memref<1000x128xf32, #tpu.memory_space<hbm>>) target(%dma_start3A_46 : memref<128x128xf32, #tpu.memory_space<vmem>>) offsets(%dma_start3A_48 : memref<128xi32, #tpu.memory_space<vmem>>) semaphore(%arg18 : memref<!tpu.dma_semaphore, #tpu.memory_space<semaphore_mem>>)
    %dma_start3A_52 = arith.constant 384 : i32
    %dma_start3A_53 = arith.constant 0 : i32
    %dma_start3A_54 = tpu.memref_slice %arg16[%dma_start3A_52, %dma_start3A_53] : memref<512x128xf32, #tpu.memory_space<vmem>> -> memref<128x128xf32, #tpu.memory_space<vmem>>
    %dma_start3A_55 = arith.constant 384 : i32
    %dma_start3A_56 = tpu.memref_slice %arg14[%dma_start3A_55] : memref<512xi32, #tpu.memory_space<vmem>> -> memref<128xi32, #tpu.memory_space<vmem>>
    %dma_start3A_57 = arith.constant 0 : i32
    %dma_start3A_58 = arith.constant 0 : i32
    %dma_start3A_59 = tpu.memref_slice %arg7[%dma_start3A_57, %dma_start3A_58] : memref<1000x128xf32, #tpu.memory_space<hbm>> -> memref<1000x128xf32, #tpu.memory_space<hbm>>
    tpu.enqueue_indirect_dma source(%dma_start3A_59 : memref<1000x128xf32, #tpu.memory_space<hbm>>) target(%dma_start3A_54 : memref<128x128xf32, #tpu.memory_space<vmem>>) offsets(%dma_start3A_56 : memref<128xi32, #tpu.memory_space<vmem>>) semaphore(%arg18 : memref<!tpu.dma_semaphore, #tpu.memory_space<semaphore_mem>>)
    %dma_wait3A_60 = arith.constant 0 : i32
    %dma_wait3A_61 = arith.constant 0 : i32
    %dma_wait3A_62 = tpu.memref_slice %arg7[%dma_wait3A_60, %dma_wait3A_61] : memref<1000x128xf32, #tpu.memory_space<hbm>> -> memref<512x128xf32, #tpu.memory_space<hbm>>
    %dma_wait3A_63 = arith.constant 0 : i32
    %dma_wait3A_64 = arith.constant 0 : i32
    %dma_wait3A_65 = tpu.memref_slice %arg7[%dma_wait3A_63, %dma_wait3A_64] : memref<1000x128xf32, #tpu.memory_space<hbm>> -> memref<512x128xf32, #tpu.memory_space<hbm>>
    tpu.wait_dma2 semaphore(%arg18 : memref<!tpu.dma_semaphore, #tpu.memory_space<semaphore_mem>>) src(%dma_wait3A_65 : memref<512x128xf32, #tpu.memory_space<hbm>>) dst(%arg16 : memref<512x128xf32, #tpu.memory_space<vmem>>)
    "tpu.region"() ({
      %run_scoped3A = tpu.sem_alloc : memref<!tpu.dma_semaphore, #tpu.memory_space<semaphore_mem>>
      %dma_start3A_142 = arith.constant 0 : i32
      %dma_start3A_143 = tpu.memref_slice %arg11[%mul3A_2, %dma_start3A_142] : memref<16384x128xf32, #tpu.memory_space<hbm>> -> memref<512x128xf32, #tpu.memory_space<hbm>>
      %dma_start3A_144 = arith.constant 0 : i32
      %dma_start3A_145 = tpu.memref_slice %arg11[%mul3A_2, %dma_start3A_144] : memref<16384x128xf32, #tpu.memory_space<hbm>> -> memref<512x128xf32, #tpu.memory_space<hbm>>
      tpu.enqueue_dma source(%arg16 : memref<512x128xf32, #tpu.memory_space<vmem>>) target(%dma_start3A_145 : memref<512x128xf32, #tpu.memory_space<hbm>>) target_semaphore(%run_scoped3A : memref<!tpu.dma_semaphore, #tpu.memory_space<semaphore_mem>>)
      %dma_wait3A_146 = arith.constant 0 : i32
      %dma_wait3A_147 = tpu.memref_slice %arg11[%mul3A_2, %dma_wait3A_146] : memref<16384x128xf32, #tpu.memory_space<hbm>> -> memref<512x128xf32, #tpu.memory_space<hbm>>
      %dma_wait3A_148 = arith.constant 0 : i32
      %dma_wait3A_149 = tpu.memref_slice %arg11[%mul3A_2, %dma_wait3A_148] : memref<16384x128xf32, #tpu.memory_space<hbm>> -> memref<512x128xf32, #tpu.memory_space<hbm>>
      tpu.wait_dma2 semaphore(%run_scoped3A : memref<!tpu.dma_semaphore, #tpu.memory_space<semaphore_mem>>) src(%arg16 : memref<512x128xf32, #tpu.memory_space<vmem>>) dst(%dma_wait3A_149 : memref<512x128xf32, #tpu.memory_space<hbm>>)
      tpu.yield
    }) : () -> ()
    "tpu.region"() ({
      %run_scoped3A = tpu.sem_alloc : memref<!tpu.dma_semaphore, #tpu.memory_space<semaphore_mem>>
      %dma_start3A_142 = tpu.memref_slice %arg4[%mul3A_2] : memref<16384xi32, #tpu.memory_space<hbm>> -> memref<512xi32, #tpu.memory_space<hbm>>
      %dma_start3A_143 = tpu.memref_slice %arg4[%mul3A_2] : memref<16384xi32, #tpu.memory_space<hbm>> -> memref<512xi32, #tpu.memory_space<hbm>>
      tpu.enqueue_dma source(%dma_start3A_143 : memref<512xi32, #tpu.memory_space<hbm>>) target(%arg14 : memref<512xi32, #tpu.memory_space<vmem>>) target_semaphore(%run_scoped3A : memref<!tpu.dma_semaphore, #tpu.memory_space<semaphore_mem>>)
      %dma_wait3A_144 = tpu.memref_slice %arg4[%mul3A_2] : memref<16384xi32, #tpu.memory_space<hbm>> -> memref<512xi32, #tpu.memory_space<hbm>>
      %dma_wait3A_145 = tpu.memref_slice %arg4[%mul3A_2] : memref<16384xi32, #tpu.memory_space<hbm>> -> memref<512xi32, #tpu.memory_space<hbm>>
      tpu.wait_dma2 semaphore(%run_scoped3A : memref<!tpu.dma_semaphore, #tpu.memory_space<semaphore_mem>>) src(%dma_wait3A_145 : memref<512xi32, #tpu.memory_space<hbm>>) dst(%arg14 : memref<512xi32, #tpu.memory_space<vmem>>)
      tpu.yield
    }) : () -> ()
    %dma_start3A_66 = arith.constant 0 : i32
    %dma_start3A_67 = arith.constant 0 : i32
    %dma_start3A_68 = tpu.memref_slice %arg16[%dma_start3A_66, %dma_start3A_67] : memref<512x128xf32, #tpu.memory_space<vmem>> -> memref<128x128xf32, #tpu.memory_space<vmem>>
    %dma_start3A_69 = arith.constant 0 : i32
    %dma_start3A_70 = tpu.memref_slice %arg14[%dma_start3A_69] : memref<512xi32, #tpu.memory_space<vmem>> -> memref<128xi32, #tpu.memory_space<vmem>>
    %dma_start3A_71 = arith.constant 0 : i32
    %dma_start3A_72 = arith.constant 0 : i32
    %dma_start3A_73 = tpu.memref_slice %arg8[%dma_start3A_71, %dma_start3A_72] : memref<1000x128xf32, #tpu.memory_space<hbm>> -> memref<1000x128xf32, #tpu.memory_space<hbm>>
    tpu.enqueue_indirect_dma source(%dma_start3A_73 : memref<1000x128xf32, #tpu.memory_space<hbm>>) target(%dma_start3A_68 : memref<128x128xf32, #tpu.memory_space<vmem>>) offsets(%dma_start3A_70 : memref<128xi32, #tpu.memory_space<vmem>>) semaphore(%arg18 : memref<!tpu.dma_semaphore, #tpu.memory_space<semaphore_mem>>)
    %dma_start3A_74 = arith.constant 128 : i32
    %dma_start3A_75 = arith.constant 0 : i32
    %dma_start3A_76 = tpu.memref_slice %arg16[%dma_start3A_74, %dma_start3A_75] : memref<512x128xf32, #tpu.memory_space<vmem>> -> memref<128x128xf32, #tpu.memory_space<vmem>>
    %dma_start3A_77 = arith.constant 128 : i32
    %dma_start3A_78 = tpu.memref_slice %arg14[%dma_start3A_77] : memref<512xi32, #tpu.memory_space<vmem>> -> memref<128xi32, #tpu.memory_space<vmem>>
    %dma_start3A_79 = arith.constant 0 : i32
    %dma_start3A_80 = arith.constant 0 : i32
    %dma_start3A_81 = tpu.memref_slice %arg8[%dma_start3A_79, %dma_start3A_80] : memref<1000x128xf32, #tpu.memory_space<hbm>> -> memref<1000x128xf32, #tpu.memory_space<hbm>>
    tpu.enqueue_indirect_dma source(%dma_start3A_81 : memref<1000x128xf32, #tpu.memory_space<hbm>>) target(%dma_start3A_76 : memref<128x128xf32, #tpu.memory_space<vmem>>) offsets(%dma_start3A_78 : memref<128xi32, #tpu.memory_space<vmem>>) semaphore(%arg18 : memref<!tpu.dma_semaphore, #tpu.memory_space<semaphore_mem>>)
    %dma_start3A_82 = arith.constant 256 : i32
    %dma_start3A_83 = arith.constant 0 : i32
    %dma_start3A_84 = tpu.memref_slice %arg16[%dma_start3A_82, %dma_start3A_83] : memref<512x128xf32, #tpu.memory_space<vmem>> -> memref<128x128xf32, #tpu.memory_space<vmem>>
    %dma_start3A_85 = arith.constant 256 : i32
    %dma_start3A_86 = tpu.memref_slice %arg14[%dma_start3A_85] : memref<512xi32, #tpu.memory_space<vmem>> -> memref<128xi32, #tpu.memory_space<vmem>>
    %dma_start3A_87 = arith.constant 0 : i32
    %dma_start3A_88 = arith.constant 0 : i32
    %dma_start3A_89 = tpu.memref_slice %arg8[%dma_start3A_87, %dma_start3A_88] : memref<1000x128xf32, #tpu.memory_space<hbm>> -> memref<1000x128xf32, #tpu.memory_space<hbm>>
    tpu.enqueue_indirect_dma source(%dma_start3A_89 : memref<1000x128xf32, #tpu.memory_space<hbm>>) target(%dma_start3A_84 : memref<128x128xf32, #tpu.memory_space<vmem>>) offsets(%dma_start3A_86 : memref<128xi32, #tpu.memory_space<vmem>>) semaphore(%arg18 : memref<!tpu.dma_semaphore, #tpu.memory_space<semaphore_mem>>)
    %dma_start3A_90 = arith.constant 384 : i32
    %dma_start3A_91 = arith.constant 0 : i32
    %dma_start3A_92 = tpu.memref_slice %arg16[%dma_start3A_90, %dma_start3A_91] : memref<512x128xf32, #tpu.memory_space<vmem>> -> memref<128x128xf32, #tpu.memory_space<vmem>>
    %dma_start3A_93 = arith.constant 384 : i32
    %dma_start3A_94 = tpu.memref_slice %arg14[%dma_start3A_93] : memref<512xi32, #tpu.memory_space<vmem>> -> memref<128xi32, #tpu.memory_space<vmem>>
    %dma_start3A_95 = arith.constant 0 : i32
    %dma_start3A_96 = arith.constant 0 : i32
    %dma_start3A_97 = tpu.memref_slice %arg8[%dma_start3A_95, %dma_start3A_96] : memref<1000x128xf32, #tpu.memory_space<hbm>> -> memref<1000x128xf32, #tpu.memory_space<hbm>>
    tpu.enqueue_indirect_dma source(%dma_start3A_97 : memref<1000x128xf32, #tpu.memory_space<hbm>>) target(%dma_start3A_92 : memref<128x128xf32, #tpu.memory_space<vmem>>) offsets(%dma_start3A_94 : memref<128xi32, #tpu.memory_space<vmem>>) semaphore(%arg18 : memref<!tpu.dma_semaphore, #tpu.memory_space<semaphore_mem>>)
    %dma_wait3A_98 = arith.constant 0 : i32
    %dma_wait3A_99 = arith.constant 0 : i32
    %dma_wait3A_100 = tpu.memref_slice %arg8[%dma_wait3A_98, %dma_wait3A_99] : memref<1000x128xf32, #tpu.memory_space<hbm>> -> memref<512x128xf32, #tpu.memory_space<hbm>>
    %dma_wait3A_101 = arith.constant 0 : i32
    %dma_wait3A_102 = arith.constant 0 : i32
    %dma_wait3A_103 = tpu.memref_slice %arg8[%dma_wait3A_101, %dma_wait3A_102] : memref<1000x128xf32, #tpu.memory_space<hbm>> -> memref<512x128xf32, #tpu.memory_space<hbm>>
    tpu.wait_dma2 semaphore(%arg18 : memref<!tpu.dma_semaphore, #tpu.memory_space<semaphore_mem>>) src(%dma_wait3A_103 : memref<512x128xf32, #tpu.memory_space<hbm>>) dst(%arg16 : memref<512x128xf32, #tpu.memory_space<vmem>>)
    "tpu.region"() ({
      %run_scoped3A = tpu.sem_alloc : memref<!tpu.dma_semaphore, #tpu.memory_space<semaphore_mem>>
      %dma_start3A_142 = arith.constant 0 : i32
      %dma_start3A_143 = tpu.memref_slice %arg12[%mul3A_2, %dma_start3A_142] : memref<16384x128xf32, #tpu.memory_space<hbm>> -> memref<512x128xf32, #tpu.memory_space<hbm>>
      %dma_start3A_144 = arith.constant 0 : i32
      %dma_start3A_145 = tpu.memref_slice %arg12[%mul3A_2, %dma_start3A_144] : memref<16384x128xf32, #tpu.memory_space<hbm>> -> memref<512x128xf32, #tpu.memory_space<hbm>>
      tpu.enqueue_dma source(%arg16 : memref<512x128xf32, #tpu.memory_space<vmem>>) target(%dma_start3A_145 : memref<512x128xf32, #tpu.memory_space<hbm>>) target_semaphore(%run_scoped3A : memref<!tpu.dma_semaphore, #tpu.memory_space<semaphore_mem>>)
      %dma_wait3A_146 = arith.constant 0 : i32
      %dma_wait3A_147 = tpu.memref_slice %arg12[%mul3A_2, %dma_wait3A_146] : memref<16384x128xf32, #tpu.memory_space<hbm>> -> memref<512x128xf32, #tpu.memory_space<hbm>>
      %dma_wait3A_148 = arith.constant 0 : i32
      %dma_wait3A_149 = tpu.memref_slice %arg12[%mul3A_2, %dma_wait3A_148] : memref<16384x128xf32, #tpu.memory_space<hbm>> -> memref<512x128xf32, #tpu.memory_space<hbm>>
      tpu.wait_dma2 semaphore(%run_scoped3A : memref<!tpu.dma_semaphore, #tpu.memory_space<semaphore_mem>>) src(%arg16 : memref<512x128xf32, #tpu.memory_space<vmem>>) dst(%dma_wait3A_149 : memref<512x128xf32, #tpu.memory_space<hbm>>)
      tpu.yield
    }) : () -> ()
    "tpu.region"() ({
      %run_scoped3A = tpu.sem_alloc : memref<!tpu.dma_semaphore, #tpu.memory_space<semaphore_mem>>
      %dma_start3A_142 = tpu.memref_slice %arg5[%mul3A_2] : memref<16384xi32, #tpu.memory_space<hbm>> -> memref<512xi32, #tpu.memory_space<hbm>>
      %dma_start3A_143 = tpu.memref_slice %arg5[%mul3A_2] : memref<16384xi32, #tpu.memory_space<hbm>> -> memref<512xi32, #tpu.memory_space<hbm>>
      tpu.enqueue_dma source(%dma_start3A_143 : memref<512xi32, #tpu.memory_space<hbm>>) target(%arg14 : memref<512xi32, #tpu.memory_space<vmem>>) target_semaphore(%run_scoped3A : memref<!tpu.dma_semaphore, #tpu.memory_space<semaphore_mem>>)
      %dma_wait3A_144 = tpu.memref_slice %arg5[%mul3A_2] : memref<16384xi32, #tpu.memory_space<hbm>> -> memref<512xi32, #tpu.memory_space<hbm>>
      %dma_wait3A_145 = tpu.memref_slice %arg5[%mul3A_2] : memref<16384xi32, #tpu.memory_space<hbm>> -> memref<512xi32, #tpu.memory_space<hbm>>
      tpu.wait_dma2 semaphore(%run_scoped3A : memref<!tpu.dma_semaphore, #tpu.memory_space<semaphore_mem>>) src(%dma_wait3A_145 : memref<512xi32, #tpu.memory_space<hbm>>) dst(%arg14 : memref<512xi32, #tpu.memory_space<vmem>>)
      tpu.yield
    }) : () -> ()
    %dma_start3A_104 = arith.constant 0 : i32
    %dma_start3A_105 = arith.constant 0 : i32
    %dma_start3A_106 = tpu.memref_slice %arg16[%dma_start3A_104, %dma_start3A_105] : memref<512x128xf32, #tpu.memory_space<vmem>> -> memref<128x128xf32, #tpu.memory_space<vmem>>
    %dma_start3A_107 = arith.constant 0 : i32
    %dma_start3A_108 = tpu.memref_slice %arg14[%dma_start3A_107] : memref<512xi32, #tpu.memory_space<vmem>> -> memref<128xi32, #tpu.memory_space<vmem>>
    %dma_start3A_109 = arith.constant 0 : i32
    %dma_start3A_110 = arith.constant 0 : i32
    %dma_start3A_111 = tpu.memref_slice %arg9[%dma_start3A_109, %dma_start3A_110] : memref<1000x128xf32, #tpu.memory_space<hbm>> -> memref<1000x128xf32, #tpu.memory_space<hbm>>
    tpu.enqueue_indirect_dma source(%dma_start3A_111 : memref<1000x128xf32, #tpu.memory_space<hbm>>) target(%dma_start3A_106 : memref<128x128xf32, #tpu.memory_space<vmem>>) offsets(%dma_start3A_108 : memref<128xi32, #tpu.memory_space<vmem>>) semaphore(%arg18 : memref<!tpu.dma_semaphore, #tpu.memory_space<semaphore_mem>>)
    %dma_start3A_112 = arith.constant 128 : i32
    %dma_start3A_113 = arith.constant 0 : i32
    %dma_start3A_114 = tpu.memref_slice %arg16[%dma_start3A_112, %dma_start3A_113] : memref<512x128xf32, #tpu.memory_space<vmem>> -> memref<128x128xf32, #tpu.memory_space<vmem>>
    %dma_start3A_115 = arith.constant 128 : i32
    %dma_start3A_116 = tpu.memref_slice %arg14[%dma_start3A_115] : memref<512xi32, #tpu.memory_space<vmem>> -> memref<128xi32, #tpu.memory_space<vmem>>
    %dma_start3A_117 = arith.constant 0 : i32
    %dma_start3A_118 = arith.constant 0 : i32
    %dma_start3A_119 = tpu.memref_slice %arg9[%dma_start3A_117, %dma_start3A_118] : memref<1000x128xf32, #tpu.memory_space<hbm>> -> memref<1000x128xf32, #tpu.memory_space<hbm>>
    tpu.enqueue_indirect_dma source(%dma_start3A_119 : memref<1000x128xf32, #tpu.memory_space<hbm>>) target(%dma_start3A_114 : memref<128x128xf32, #tpu.memory_space<vmem>>) offsets(%dma_start3A_116 : memref<128xi32, #tpu.memory_space<vmem>>) semaphore(%arg18 : memref<!tpu.dma_semaphore, #tpu.memory_space<semaphore_mem>>)
    %dma_start3A_120 = arith.constant 256 : i32
    %dma_start3A_121 = arith.constant 0 : i32
    %dma_start3A_122 = tpu.memref_slice %arg16[%dma_start3A_120, %dma_start3A_121] : memref<512x128xf32, #tpu.memory_space<vmem>> -> memref<128x128xf32, #tpu.memory_space<vmem>>
    %dma_start3A_123 = arith.constant 256 : i32
    %dma_start3A_124 = tpu.memref_slice %arg14[%dma_start3A_123] : memref<512xi32, #tpu.memory_space<vmem>> -> memref<128xi32, #tpu.memory_space<vmem>>
    %dma_start3A_125 = arith.constant 0 : i32
    %dma_start3A_126 = arith.constant 0 : i32
    %dma_start3A_127 = tpu.memref_slice %arg9[%dma_start3A_125, %dma_start3A_126] : memref<1000x128xf32, #tpu.memory_space<hbm>> -> memref<1000x128xf32, #tpu.memory_space<hbm>>
    tpu.enqueue_indirect_dma source(%dma_start3A_127 : memref<1000x128xf32, #tpu.memory_space<hbm>>) target(%dma_start3A_122 : memref<128x128xf32, #tpu.memory_space<vmem>>) offsets(%dma_start3A_124 : memref<128xi32, #tpu.memory_space<vmem>>) semaphore(%arg18 : memref<!tpu.dma_semaphore, #tpu.memory_space<semaphore_mem>>)
    %dma_start3A_128 = arith.constant 384 : i32
    %dma_start3A_129 = arith.constant 0 : i32
    %dma_start3A_130 = tpu.memref_slice %arg16[%dma_start3A_128, %dma_start3A_129] : memref<512x128xf32, #tpu.memory_space<vmem>> -> memref<128x128xf32, #tpu.memory_space<vmem>>
    %dma_start3A_131 = arith.constant 384 : i32
    %dma_start3A_132 = tpu.memref_slice %arg14[%dma_start3A_131] : memref<512xi32, #tpu.memory_space<vmem>> -> memref<128xi32, #tpu.memory_space<vmem>>
    %dma_start3A_133 = arith.constant 0 : i32
    %dma_start3A_134 = arith.constant 0 : i32
    %dma_start3A_135 = tpu.memref_slice %arg9[%dma_start3A_133, %dma_start3A_134] : memref<1000x128xf32, #tpu.memory_space<hbm>> -> memref<1000x128xf32, #tpu.memory_space<hbm>>
    tpu.enqueue_indirect_dma source(%dma_start3A_135 : memref<1000x128xf32, #tpu.memory_space<hbm>>) target(%dma_start3A_130 : memref<128x128xf32, #tpu.memory_space<vmem>>) offsets(%dma_start3A_132 : memref<128xi32, #tpu.memory_space<vmem>>) semaphore(%arg18 : memref<!tpu.dma_semaphore, #tpu.memory_space<semaphore_mem>>)
    %dma_wait3A_136 = arith.constant 0 : i32
    %dma_wait3A_137 = arith.constant 0 : i32
    %dma_wait3A_138 = tpu.memref_slice %arg9[%dma_wait3A_136, %dma_wait3A_137] : memref<1000x128xf32, #tpu.memory_space<hbm>> -> memref<512x128xf32, #tpu.memory_space<hbm>>
    %dma_wait3A_139 = arith.constant 0 : i32
    %dma_wait3A_140 = arith.constant 0 : i32
    %dma_wait3A_141 = tpu.memref_slice %arg9[%dma_wait3A_139, %dma_wait3A_140] : memref<1000x128xf32, #tpu.memory_space<hbm>> -> memref<512x128xf32, #tpu.memory_space<hbm>>
    tpu.wait_dma2 semaphore(%arg18 : memref<!tpu.dma_semaphore, #tpu.memory_space<semaphore_mem>>) src(%dma_wait3A_141 : memref<512x128xf32, #tpu.memory_space<hbm>>) dst(%arg16 : memref<512x128xf32, #tpu.memory_space<vmem>>)
    "tpu.region"() ({
      %run_scoped3A = tpu.sem_alloc : memref<!tpu.dma_semaphore, #tpu.memory_space<semaphore_mem>>
      %dma_start3A_142 = arith.constant 0 : i32
      %dma_start3A_143 = tpu.memref_slice %arg13[%mul3A_2, %dma_start3A_142] : memref<16384x128xf32, #tpu.memory_space<hbm>> -> memref<512x128xf32, #tpu.memory_space<hbm>>
      %dma_start3A_144 = arith.constant 0 : i32
      %dma_start3A_145 = tpu.memref_slice %arg13[%mul3A_2, %dma_start3A_144] : memref<16384x128xf32, #tpu.memory_space<hbm>> -> memref<512x128xf32, #tpu.memory_space<hbm>>
      tpu.enqueue_dma source(%arg16 : memref<512x128xf32, #tpu.memory_space<vmem>>) target(%dma_start3A_145 : memref<512x128xf32, #tpu.memory_space<hbm>>) target_semaphore(%run_scoped3A : memref<!tpu.dma_semaphore, #tpu.memory_space<semaphore_mem>>)
      %dma_wait3A_146 = arith.constant 0 : i32
      %dma_wait3A_147 = tpu.memref_slice %arg13[%mul3A_2, %dma_wait3A_146] : memref<16384x128xf32, #tpu.memory_space<hbm>> -> memref<512x128xf32, #tpu.memory_space<hbm>>
      %dma_wait3A_148 = arith.constant 0 : i32
      %dma_wait3A_149 = tpu.memref_slice %arg13[%mul3A_2, %dma_wait3A_148] : memref<16384x128xf32, #tpu.memory_space<hbm>> -> memref<512x128xf32, #tpu.memory_space<hbm>>
      tpu.wait_dma2 semaphore(%run_scoped3A : memref<!tpu.dma_semaphore, #tpu.memory_space<semaphore_mem>>) src(%arg16 : memref<512x128xf32, #tpu.memory_space<vmem>>) dst(%dma_wait3A_149 : memref<512x128xf32, #tpu.memory_space<hbm>>)
      tpu.yield
    }) : () -> ()
    return
  }
}

module attributes {stable_mosaic.version = 14 : i64} {
  func.func @_tc_towers_body(%arg0: i32, %arg1: memref<2048x64xf32, #tpu.memory_space<vmem>>, %arg2: memref<2048x64xf32, #tpu.memory_space<vmem>>, %arg3: memref<2048x128xf32, #tpu.memory_space<vmem>>, %arg4: memref<2048x128xf32, #tpu.memory_space<vmem>>, %arg5: memref<2048x128xf32, #tpu.memory_space<vmem>>, %arg6: memref<2048xf32, #tpu.memory_space<vmem>>, %arg7: memref<2048xf32, #tpu.memory_space<vmem>>, %arg8: memref<224x512xf32, #tpu.memory_space<vmem>>, %arg9: memref<1x256xf32, #tpu.memory_space<vmem>>, %arg10: memref<1x256xf32, #tpu.memory_space<vmem>>, %arg11: memref<1x512xf32, #tpu.memory_space<vmem>>, %arg12: memref<512x256xf32, #tpu.memory_space<vmem>>, %arg13: memref<1x256xf32, #tpu.memory_space<vmem>>, %arg14: memref<2048xf32, #tpu.memory_space<vmem>>) attributes {dimension_semantics = [#tpu.dimension_semantics<arbitrary>], iteration_bounds = array<i64: 8>, scalar_prefetch = 0 : i64, scratch_operands = 0 : i64, tpu.core_type = #tpu.core_type<tc>, window_params = [{transform_indices = @transform_0, window_bounds = array<i64: 2048, 64>}, {transform_indices = @transform_1, window_bounds = array<i64: 2048, 64>}, {transform_indices = @transform_2, window_bounds = array<i64: 2048, 128>}, {transform_indices = @transform_3, window_bounds = array<i64: 2048, 128>}, {transform_indices = @transform_4, window_bounds = array<i64: 2048, 128>}, {transform_indices = @transform_5, window_bounds = array<i64: 2048>}, {transform_indices = @transform_6, window_bounds = array<i64: 2048>}, {pipeline_mode = #tpu.pipeline_mode<synchronous>, transform_indices = @transform_7, window_bounds = array<i64: 224, 512>}, {pipeline_mode = #tpu.pipeline_mode<synchronous>, transform_indices = @transform_8, window_bounds = array<i64: 1, 256>}, {pipeline_mode = #tpu.pipeline_mode<synchronous>, transform_indices = @transform_9, window_bounds = array<i64: 1, 256>}, {pipeline_mode = #tpu.pipeline_mode<synchronous>, transform_indices = @transform_10, window_bounds = array<i64: 1, 512>}, {pipeline_mode = #tpu.pipeline_mode<synchronous>, transform_indices = @transform_11, window_bounds = array<i64: 512, 256>}, {pipeline_mode = #tpu.pipeline_mode<synchronous>, transform_indices = @transform_12, window_bounds = array<i64: 1, 256>}, {transform_indices = @transform_13, window_bounds = array<i64: 2048>}]} {
    %get3A = arith.constant 0 : index
    %get3A_0 = arith.constant 0 : index
    %get3A_1 = vector.load %arg1[%get3A, %get3A_0] : memref<2048x64xf32, #tpu.memory_space<vmem>>, vector<2048x64xf32>
    %get3A_2 = arith.constant 0 : index
    %get3A_3 = arith.constant 0 : index
    %get3A_4 = vector.load %arg2[%get3A_2, %get3A_3] : memref<2048x64xf32, #tpu.memory_space<vmem>>, vector<2048x64xf32>
    %get3A_5 = arith.constant 0 : index
    %get3A_6 = arith.constant 0 : index
    %get3A_7 = vector.load %arg3[%get3A_5, %get3A_6] : memref<2048x128xf32, #tpu.memory_space<vmem>>, vector<2048x32xf32>
    %get3A_8 = arith.constant 0 : index
    %get3A_9 = arith.constant 0 : index
    %get3A_10 = vector.load %arg4[%get3A_8, %get3A_9] : memref<2048x128xf32, #tpu.memory_space<vmem>>, vector<2048x32xf32>
    %get3A_11 = arith.constant 0 : index
    %get3A_12 = arith.constant 0 : index
    %get3A_13 = vector.load %arg5[%get3A_11, %get3A_12] : memref<2048x128xf32, #tpu.memory_space<vmem>>, vector<2048x32xf32>
    %concatenate3A = tpu.concatenate %get3A_1, %get3A_4, %get3A_7, %get3A_10, %get3A_13 in 1 : vector<2048x64xf32>, vector<2048x64xf32>, vector<2048x32xf32>, vector<2048x32xf32>, vector<2048x32xf32> -> vector<2048x224xf32>
    %get3A_14 = arith.constant 0 : index
    %get3A_15 = arith.constant 0 : index
    %get3A_16 = vector.load %arg8[%get3A_14, %get3A_15] : memref<224x512xf32, #tpu.memory_space<vmem>>, vector<224x512xf32>
    %dot_general3A = arith.constant dense<0.000000e+00> : vector<2048x512xf32>
    %dot_general3A_17 = tpu.matmul %concatenate3A, %get3A_16, %dot_general3A {dimension_numbers = #tpu.dot_dimension_numbers<[1], [0], [0], [1], [0, 0, 1, 1], [], []>, transpose_lhs_hint = false} : vector<2048x224xf32>, vector<224x512xf32>, vector<2048x512xf32> -> vector<2048x512xf32>
    %get3A_18 = arith.constant 0 : index
    %get3A_19 = arith.constant 0 : index
    %get3A_20 = vector.load %arg11[%get3A_18, %get3A_19] : memref<1x512xf32, #tpu.memory_space<vmem>>, vector<1x512xf32>
    %add3A = vector.broadcast %get3A_20 : vector<1x512xf32> to vector<2048x512xf32>
    %add3A_21 = arith.addf %dot_general3A_17, %add3A : vector<2048x512xf32>
    %slice3A = vector.extract_strided_slice %add3A_21 {offsets = [0, 0], sizes = [2048, 256], strides = [1, 1]} : vector<2048x512xf32> to vector<2048x256xf32>
    %get3A_22 = arith.constant 0 : index
    %get3A_23 = vector.load %arg6[%get3A_22] : memref<2048xf32, #tpu.memory_space<vmem>>, vector<2048xf32>
    %broadcast_in_dim3A = vector.shape_cast %get3A_23 : vector<2048xf32> to vector<2048x1xf32>
    %get3A_24 = arith.constant 0 : index
    %get3A_25 = arith.constant 0 : index
    %get3A_26 = vector.load %arg9[%get3A_24, %get3A_25] : memref<1x256xf32, #tpu.memory_space<vmem>>, vector<1x256xf32>
    %mul3A = vector.broadcast %broadcast_in_dim3A : vector<2048x1xf32> to vector<2048x256xf32>
    %mul3A_27 = vector.broadcast %get3A_26 : vector<1x256xf32> to vector<2048x256xf32>
    %mul3A_28 = arith.mulf %mul3A, %mul3A_27 : vector<2048x256xf32>
    %add3A_29 = arith.addf %slice3A, %mul3A_28 : vector<2048x256xf32>
    %slice3A_30 = vector.extract_strided_slice %add3A_21 {offsets = [0, 256], sizes = [2048, 256], strides = [1, 1]} : vector<2048x512xf32> to vector<2048x256xf32>
    %get3A_31 = arith.constant 0 : index
    %get3A_32 = vector.load %arg7[%get3A_31] : memref<2048xf32, #tpu.memory_space<vmem>>, vector<2048xf32>
    %broadcast_in_dim3A_33 = vector.shape_cast %get3A_32 : vector<2048xf32> to vector<2048x1xf32>
    %get3A_34 = arith.constant 0 : index
    %get3A_35 = arith.constant 0 : index
    %get3A_36 = vector.load %arg10[%get3A_34, %get3A_35] : memref<1x256xf32, #tpu.memory_space<vmem>>, vector<1x256xf32>
    %mul3A_37 = vector.broadcast %broadcast_in_dim3A_33 : vector<2048x1xf32> to vector<2048x256xf32>
    %mul3A_38 = vector.broadcast %get3A_36 : vector<1x256xf32> to vector<2048x256xf32>
    %mul3A_39 = arith.mulf %mul3A_37, %mul3A_38 : vector<2048x256xf32>
    %add3A_40 = arith.addf %slice3A_30, %mul3A_39 : vector<2048x256xf32>
    %max3A = arith.constant 0.000000e+00 : f32
    %max3A_41 = vector.broadcast %max3A : f32 to vector<2048x256xf32>
    %max3A_42 = arith.maximumf %add3A_29, %max3A_41 : vector<2048x256xf32>
    %max3A_43 = arith.constant 0.000000e+00 : f32
    %max3A_44 = vector.broadcast %max3A_43 : f32 to vector<2048x256xf32>
    %max3A_45 = arith.maximumf %add3A_40, %max3A_44 : vector<2048x256xf32>
    %concatenate3A_46 = tpu.concatenate %max3A_42, %max3A_45 in 1 : vector<2048x256xf32>, vector<2048x256xf32> -> vector<2048x512xf32>
    %get3A_47 = arith.constant 0 : index
    %get3A_48 = arith.constant 0 : index
    %get3A_49 = vector.load %arg12[%get3A_47, %get3A_48] : memref<512x256xf32, #tpu.memory_space<vmem>>, vector<512x256xf32>
    %dot_general3A_50 = arith.constant dense<0.000000e+00> : vector<2048x256xf32>
    %dot_general3A_51 = tpu.matmul %concatenate3A_46, %get3A_49, %dot_general3A_50 {dimension_numbers = #tpu.dot_dimension_numbers<[1], [0], [0], [1], [0, 0, 1, 1], [], []>, transpose_lhs_hint = false} : vector<2048x512xf32>, vector<512x256xf32>, vector<2048x256xf32> -> vector<2048x256xf32>
    %get3A_52 = arith.constant 0 : index
    %get3A_53 = arith.constant 0 : index
    %get3A_54 = vector.load %arg13[%get3A_52, %get3A_53] : memref<1x256xf32, #tpu.memory_space<vmem>>, vector<1x256xf32>
    %add3A_55 = vector.broadcast %get3A_54 : vector<1x256xf32> to vector<2048x256xf32>
    %add3A_56 = arith.addf %dot_general3A_51, %add3A_55 : vector<2048x256xf32>
    %slice3A_57 = vector.extract_strided_slice %add3A_56 {offsets = [0, 0], sizes = [2048, 128], strides = [1, 1]} : vector<2048x256xf32> to vector<2048x128xf32>
    %slice3A_58 = vector.extract_strided_slice %add3A_56 {offsets = [0, 128], sizes = [2048, 128], strides = [1, 1]} : vector<2048x256xf32> to vector<2048x128xf32>
    %mul3A_59 = arith.mulf %slice3A_57, %slice3A_57 : vector<2048x128xf32>
    %reduce_sum3A = arith.constant dense<0.000000e+00> : vector<2048xf32>
    %reduce_sum3A_60 = vector.multi_reduction <add>, %mul3A_59, %reduce_sum3A [1] : vector<2048x128xf32> to vector<2048xf32>
    %sqrt3A = math.sqrt %reduce_sum3A_60 : vector<2048xf32>
    %mul3A_61 = arith.mulf %slice3A_58, %slice3A_58 : vector<2048x128xf32>
    %reduce_sum3A_62 = arith.constant dense<0.000000e+00> : vector<2048xf32>
    %reduce_sum3A_63 = vector.multi_reduction <add>, %mul3A_61, %reduce_sum3A_62 [1] : vector<2048x128xf32> to vector<2048xf32>
    %sqrt3A_64 = math.sqrt %reduce_sum3A_63 : vector<2048xf32>
    %max3A_65 = arith.constant 9.99999996E-13 : f32
    %max3A_66 = vector.broadcast %max3A_65 : f32 to vector<2048xf32>
    %max3A_67 = arith.maximumf %sqrt3A, %max3A_66 : vector<2048xf32>
    %max3A_68 = arith.constant 9.99999996E-13 : f32
    %max3A_69 = vector.broadcast %max3A_68 : f32 to vector<2048xf32>
    %max3A_70 = arith.maximumf %sqrt3A_64, %max3A_69 : vector<2048xf32>
    %mul3A_71 = arith.mulf %max3A_67, %max3A_70 : vector<2048xf32>
    %mul3A_72 = arith.mulf %slice3A_57, %slice3A_58 : vector<2048x128xf32>
    %reduce_sum3A_73 = arith.constant dense<0.000000e+00> : vector<2048xf32>
    %reduce_sum3A_74 = vector.multi_reduction <add>, %mul3A_72, %reduce_sum3A_73 [1] : vector<2048x128xf32> to vector<2048xf32>
    %div3A = arith.divf %reduce_sum3A_74, %mul3A_71 : vector<2048xf32>
    %swap3A = arith.constant 0 : index
    %swap3A_75 = vector.load %arg14[%swap3A] : memref<2048xf32, #tpu.memory_space<vmem>>, vector<2048xf32>
    tpu.vector_store %arg14[%swap3A], %div3A {strides = array<i32>} : memref<2048xf32, #tpu.memory_space<vmem>>, vector<2048xf32>,
    return
  }
  func.func @transform_0(%arg0: i32) -> (i32, i32) {
    %c0_i32 = arith.constant 0 : i32
    %c0_i32_0 = arith.constant 0 : i32
    return %arg0, %c0_i32 : i32, i32
  }
  func.func @transform_1(%arg0: i32) -> (i32, i32) {
    %c0_i32 = arith.constant 0 : i32
    %c0_i32_0 = arith.constant 0 : i32
    return %arg0, %c0_i32 : i32, i32
  }
  func.func @transform_2(%arg0: i32) -> (i32, i32) {
    %c0_i32 = arith.constant 0 : i32
    %c0_i32_0 = arith.constant 0 : i32
    return %arg0, %c0_i32 : i32, i32
  }
  func.func @transform_3(%arg0: i32) -> (i32, i32) {
    %c0_i32 = arith.constant 0 : i32
    %c0_i32_0 = arith.constant 0 : i32
    return %arg0, %c0_i32 : i32, i32
  }
  func.func @transform_4(%arg0: i32) -> (i32, i32) {
    %c0_i32 = arith.constant 0 : i32
    %c0_i32_0 = arith.constant 0 : i32
    return %arg0, %c0_i32 : i32, i32
  }
  func.func @transform_5(%arg0: i32) -> i32 {
    %c0_i32 = arith.constant 0 : i32
    return %arg0 : i32
  }
  func.func @transform_6(%arg0: i32) -> i32 {
    %c0_i32 = arith.constant 0 : i32
    return %arg0 : i32
  }
  func.func @transform_7(%arg0: i32) -> (i32, i32) {
    %c0_i32 = arith.constant 0 : i32
    %c0_i32_0 = arith.constant 0 : i32
    %c0_i32_1 = arith.constant 0 : i32
    return %c0_i32, %c0_i32_0 : i32, i32
  }
  func.func @transform_8(%arg0: i32) -> (i32, i32) {
    %c0_i32 = arith.constant 0 : i32
    %c0_i32_0 = arith.constant 0 : i32
    %c0_i32_1 = arith.constant 0 : i32
    return %c0_i32, %c0_i32_0 : i32, i32
  }
  func.func @transform_9(%arg0: i32) -> (i32, i32) {
    %c0_i32 = arith.constant 0 : i32
    %c0_i32_0 = arith.constant 0 : i32
    %c0_i32_1 = arith.constant 0 : i32
    return %c0_i32, %c0_i32_0 : i32, i32
  }
  func.func @transform_10(%arg0: i32) -> (i32, i32) {
    %c0_i32 = arith.constant 0 : i32
    %c0_i32_0 = arith.constant 0 : i32
    %c0_i32_1 = arith.constant 0 : i32
    return %c0_i32, %c0_i32_0 : i32, i32
  }
  func.func @transform_11(%arg0: i32) -> (i32, i32) {
    %c0_i32 = arith.constant 0 : i32
    %c0_i32_0 = arith.constant 0 : i32
    %c0_i32_1 = arith.constant 0 : i32
    return %c0_i32, %c0_i32_0 : i32, i32
  }
  func.func @transform_12(%arg0: i32) -> (i32, i32) {
    %c0_i32 = arith.constant 0 : i32
    %c0_i32_0 = arith.constant 0 : i32
    %c0_i32_1 = arith.constant 0 : i32
    return %c0_i32, %c0_i32_0 : i32, i32
  }
  func.func @transform_13(%arg0: i32) -> i32 {
    %c0_i32 = arith.constant 0 : i32
    return %arg0 : i32
  }
}

</mosaic_0001>

<sc_bundles>
// kernel: kernel.5.cloned.1.call-start
scs
__scs_entry_jumppad:
0x0: {  	(pc) =	sbr.rel $0x88, $3  }
0x1: {  	(tag) =	ssettag $0x0;
	lr =	simm.s32 $0x1  }
0x2: {  	[smem:$0x3F8D] =	sst lr;
	_ =	strace $0xD0000000  }
0x3: {  	_ = 	snop  }
0x4: {  	_ = 	snop  }
0x5: {  	_ = 	snop  }
0x6: {  	_ = 	snop  }
0x7: {  	_ = 	snop  }
__scs_overlays_trampoline_lowered:
0x8: {  	[smem:$0x3F9C] =	sst s0  }
0x9: {  	[smem:$0x3F9D] =	sst s1  }
0xa: {  	[smem:$0x3F9E] =	sst s2  }
0xb: {  	[smem:$0x3F9F] =	sst s3  }
0xc: {  	[smem:$0x3FA0] =	sst s4  }
0xd: {  	[smem:$0x3FA1] =	sst s5  }
0xe: {  	[smem:$0x3FA2] =	sst s6  }
0xf: {  	[smem:$0x3FA3] =	sst s7  }
0x10: {  	[smem:$0x3FA4] =	sst s8  }
0x11: {  	[smem:$0x3FA5] =	sst s9;
	s0 =	simm.s32 @!p0 $0x0  }
0x12: {  	s1 =	sld [smem:$0x3F8B];
	s0 =	simm.s32 @p0 $0x1  }
0x13: {  	[smem:$0x3FA6] =	sst s0;
	s0 =	simm.s32 @!p1 $0x0  }
0x14: {  	s2 =	sld [smem:$0x3F8A];
	s0 =	simm.s32 @p1 $0x1  }
0x15: {  	[smem:$0x3FA7] =	sst s0;
	s0 =	simm.s32 @!p2 $0x0  }
0x16: {  	s3 =	sld [smem:$0x3FDB];
	s0 =	simm.s32 @p2 $0x1  }
0x17: {  	s4 =	simm.s32 $0x1BF5;
	[smem:$0x3FA9] =	sst s0  }
0x18: {  	s0 =	sld [smem:$0x3F8C];
	_ =	swait.ge [sflag:s4], $0x0  }
0x19: {  	s7 =	sld [smem:$0x3F8D]  }
0x1a: {  	s8 =	sadd.s32 $0xFFFFE003, lr  }
0x1b: {  	s9 =	sadd.s32 $0xFFFFFEF7, lr;
	s5 =	simm.s32 $0xFFFFFFFF;
	p2 =	slt.u32 s8, $0xFFFFF086  }
0x1c: {  	p1 =	slt.u32 s9, $0xF7A;
	s5 =	simm.s32 @!p2 $0x0  }
0x1d: {  	s5 =	simm.s32 @p1 $0x1;
	p0 =	seq.s32 s7, s2  }
0x1e: {  	s7 =	smul.u32 @!p0 $0xF7A, s2;
	p2 =	seq.s32 @!p0 s5, $0x0  }
0x1f: {  	s9 =	smul.u32 $0xF7A, s1;
	s8 =	simm.s32 @!p0 $0x1BF5;
	p2 =	por !p2, p0  }
0x20: {  	[sflag:s8] =	ssyncset.s32 @!p0 $0xFFFFF086;
	s6 =	sadd.s32 @!p0 s3, s7;
	s7 =	simm.s32 @!p0 $0x108  }
0x21: {  	s3 =	sadd.s32 s3, s9;
	s6 =	sadd.s32 @!p0 $0x88, s6;
	s7 =	simm.s32 @p2 $0x1082  }
0x22: {  	[simem:s7], [sflag:s8] =	dma.local @!p0 [hbm:s6], $0xF7A  }
0x23: {  	s9 =	sor.u32 $0xD0000000, s2;
	s6 =	simm.s32 $0x108;
	_ =	swait.ge @!p0 [sflag:s8], $0x0  }
0x24: {  	s3 =	sadd.s32 $0x88, s3;
	s6 =	simm.s32 @!p1 $0x1082;
	[sflag:s4] =	ssyncset.s32 $0xFFFFF086  }
0x25: {  	[simem:s6], [sflag:s4] =	dma.local [hbm:s3], $0xF7A  }
0x26: {  	[smem:$0x3F8D] =	sst s1;
	(tag) =	ssettag s2;
	_ =	strace s9  }
0x27: {  	s1 =	sld [smem:$0x3F9D]  }
0x28: {  	s2 =	sld [smem:$0x3F9E]  }
0x29: {  	s4 =	sld [smem:$0x3FA0]  }
0x2a: {  	p0 =	seq.s32 s5, $0x0;
	s5 =	sld [smem:$0x3FA1]  }
0x2b: {  	s6 =	sld [smem:$0x3FA2]  }
0x2c: {  	s7 =	sld [smem:$0x3FA3]  }
0x2d: {  	s3 =	simm.s32 $0x108;
	s8 =	sld [smem:$0x3FA4]  }
0x2e: {  	s3 =	simm.s32 @!p0 $0x1082;
	s9 =	sld [smem:$0x3FA5]  }
0x2f: {  	lr =	sadd.s32 s0, s3;
	s0 =	sld [smem:$0x3F9C]  }
0x30: {  	s3 =	sld [smem:$0x3F9F]  }
0x31: {  	[smem:$0x3FA8] =	sst s10  }
0x32: {  	s10 =	sld [smem:$0x3FA6];
	_ =	sdelay $0x3  }
0x33: {  	p0 =	seq.s32 s10, $0x1;
	s10 =	sld [smem:$0x3FA8];
	_ =	sdelay $0x3  }
0x34: {  	[smem:$0x3FA8] =	sst s10  }
0x35: {  	s10 =	sld [smem:$0x3FA7];
	_ =	sdelay $0x3  }
0x36: {  	p1 =	seq.s32 s10, $0x1;
	s10 =	sld [smem:$0x3FA8];
	_ =	sdelay $0x3  }
0x37: {  	[smem:$0x3FA8] =	sst s10  }
0x38: {  	s10 =	sld [smem:$0x3FA9]  }
0x39: {  	_ = 	snop;
	(pc) =	sbr.ind lr, $3  }
0x3a: {  	_ = 	snop  }
0x3b: {  	_ = 	snop  }
0x3c: {  	p2 =	seq.s32 s10, $0x1;
	s10 =	sld [smem:$0x3FA8]  }
0x3d: {  	_ =	shalt  }
0x3e: {  	_ =	shalt  }
0x3f: {  	_ =	shalt  }
0x40: {  	_ =	shalt  }
0x41: {  	_ =	shalt  }
0x42: {  	_ =	shalt  }
0x43: {  	_ =	shalt  }
0x44: {  	_ =	shalt  }
0x45: {  	_ =	shalt  }
0x46: {  	_ =	shalt  }
0x47: {  	_ =	shalt  }
0x48: {  	_ =	shalt  }
0x49: {  	_ =	shalt  }
0x4a: {  	_ =	shalt  }
0x4b: {  	_ =	shalt  }
0x4c: {  	_ =	shalt  }
0x4d: {  	_ =	shalt  }
0x4e: {  	_ =	shalt  }
0x4f: {  	_ =	shalt  }
0x50: {  	_ =	shalt  }
0x51: {  	_ =	shalt  }
0x52: {  	_ =	shalt  }
0x53: {  	_ =	shalt  }
0x54: {  	_ =	shalt  }
0x55: {  	_ =	shalt  }
0x56: {  	_ =	shalt  }
0x57: {  	_ =	shalt  }
0x58: {  	_ =	shalt  }
0x59: {  	_ =	shalt  }
0x5a: {  	_ =	shalt  }
0x5b: {  	_ =	shalt  }
0x5c: {  	_ =	shalt  }
0x5d: {  	_ =	shalt  }
0x5e: {  	_ =	shalt  }
0x5f: {  	_ =	shalt  }
0x60: {  	_ =	shalt  }
0x61: {  	_ =	shalt  }
0x62: {  	_ =	shalt  }
0x63: {  	_ =	shalt  }
0x64: {  	_ =	shalt  }
0x65: {  	_ =	shalt  }
0x66: {  	_ =	shalt  }
0x67: {  	_ =	shalt  }
0x68: {  	_ =	shalt  }
0x69: {  	_ =	shalt  }
0x6a: {  	_ =	shalt  }
0x6b: {  	_ =	shalt  }
0x6c: {  	_ =	shalt  }
0x6d: {  	_ =	shalt  }
0x6e: {  	_ =	shalt  }
0x6f: {  	_ =	shalt  }
0x70: {  	_ =	shalt  }
0x71: {  	_ =	shalt  }
0x72: {  	_ =	shalt  }
0x73: {  	_ =	shalt  }
0x74: {  	_ =	shalt  }
0x75: {  	_ =	shalt  }
0x76: {  	_ =	shalt  }
0x77: {  	_ =	shalt  }
0x78: {  	_ =	shalt  }
0x79: {  	_ =	shalt  }
0x7a: {  	_ =	shalt  }
0x7b: {  	_ =	shalt  }
0x7c: {  	_ =	shalt  }
0x7d: {  	_ =	shalt  }
0x7e: {  	_ =	shalt  }
0x7f: {  	_ =	shalt  }
0x80: {  	_ =	shalt  }
0x81: {  	_ =	shalt  }
0x82: {  	_ =	shalt  }
0x83: {  	_ =	shalt  }
0x84: {  	_ =	shalt  }
0x85: {  	_ =	shalt  }
0x86: {  	_ =	shalt  }
0x87: {  	_ =	shalt  }
.Lfunc_end0:
.L_simem_size_0:
called_computation_lowered:
.L_overlay_start_0:
0x88: {  	s2 =	sld [smem:$0x3FD9]  }
0x89: {  	s3 =	sld [smem:$0x3FFE];
	_ =	sdelay $0x1  }
0x8a: {  	s1 =	srdreg.scid  }
0x8b: {  	s0 =	sand.u32 $0x1, s1  }
0x8c: {  	s17 =	sshll.u32 s0, $0xA;
	s2 =	sadd.s32 s3, s2  }
0x8d: {  	s2 =	sadd.s32 s2, s17  }
0x8e: {  	[smem:$0x3FB4] =	sst s2  }
0x8f: {  	_ = 	snop  }
0x90: {  	s18 =	sld [smem:$0x3FC7];
	(tm) =	ssettm $0x1  }
0x91: {  	s19 =	sld [smem:$0x3FFB];
	_ =	sdelay $0x3  }
0x92: {  	_ =	strace s19  }
0x93: {  	s2 =	sld [smem:$0x3FFC];
	_ =	sdelay $0x3  }
0x94: {  	_ =	strace s2  }
0x95: {  	s2 =	sld [smem:$0x3FFD];
	_ =	sdelay $0x3  }
0x96: {  	_ =	strace s2  }
0x97: {  	_ =	strace $0x8FFFFFFF  }
0x98: {  	s20 =	sld [smem:$0x3FDB];
	_ =	sdelay $0x1  }
0x99: {  	s4 =	simm.s32 $_scs_section_size  }
0x9a: {  	s5 =	simm.s32 $_size__tile_overlayer_lowered;
	s6 =	simm.s32 $_tile_overlayer_lowered  }
0x9b: {  	s7 =	simm.s32 $0x1BFF;
	s21 =	sshll.u32 s6, $0x1;
	s4 =	sadd.s32 s4, s20  }
0x9c: {  	s22 =	simm.s32 $0x0;
	s5 =	sshll.u32 s5, $0x1;
	s6 =	sadd.s32 s21, s4  }
0x9d: {  	[timem:s22], [sflag:s7] =	dma.local [hbm:s6], s5  }
0x9e: {  	_ =	swait.ge [sflag:s7], s5  }
0x9f: {  	s5 =	ssub.s32 $0x0, s5;
	[sflag:s7] =	ssyncset.done $0x0  }
0xa0: {  	[sflag:s7] =	ssyncadd.s32 s5;
	_ =	sdelay $0x1  }
0xa1: {  	s23 =	simm.s32 $0x1B8B  }
0xa2: {  	_ =	swait.ge [sflag:s23], $0x1  }
0xa3: {  	[sflag:s23] =	ssyncset.done $0x0  }
0xa4: {  	[sflag:s23] =	ssyncadd.s32 $0xFFFFFFFF  }
0xa5: {  	s5 =	sld [smem:$0x0]  }
0xa6: {  	s6 =	sand.u32 $0xFFFFFFFE, s1  }
0xa7: {  	p0 =	sne.s32 s1, s6  }
0xa8: {  	s6 =	sshll.u32 @p0 s6, $0xE  }
0xa9: {  	s6 =	sadd.s32 @p0 $0x11B8D, s6;
	s7 =	sshll.u32 @p0 s5, $0x11  }
0xaa: {  	s6 =	sor.u32 @p0 s7, s6  }
0xab: {  	[sflag:s6] =	ssyncadd.remote.s32 @p0 $0x1;
	_ =	sdelay $0x1  }
0xac: {  	s6 =	simm.s32 @p0 $0x1B8D  }
0xad: {  	_ =	swait.eq @p0 [sflag:s6], $0x1  }
0xae: {  	[sflag:s6] =	ssyncadd.s32 @p0 $0xFFFFFFFF  }
0xaf: {  	s7 =	sshll.u32 @!p0 s1, $0xE  }
0xb0: {  	s7 =	sor.u32 @!p0 $0x4000, s7;
	s6 =	simm.s32 @!p0 $0x1B8D  }
0xb1: {  	s5 =	sshll.u32 @!p0 s5, $0x11;
	s7 =	sadd.s32 @!p0 $0x11B8D, s7;
	_ =	swait.eq @!p0 [sflag:s6], $0x1  }
0xb2: {  	s5 =	sor.u32 @!p0 s5, s7;
	[sflag:s6] =	ssyncadd.s32 @!p0 $0xFFFFFFFF  }
0xb3: {  	s25 =	simm.s32 $0x1B8E;
	s24 =	sld [smem:$0x3FFE];
	[sflag:s5] =	ssyncadd.remote.s32 @!p0 $0x1  }
0xb4: {  	s26 =	simm.s32 $execute0_lowered;
	[smem:$0x3FD2] =	sst s25  }
0xb5: {  	s6 =	sshll.u32 s26, $0x1;
	_ =	strace $0x80000049;
	[dreg:$0x1] =	wrdreg $0xFFFFFFFF  }
0xb6: {  	s28 =	simm.s32 $_size_execute0_lowered;
	s4 =	sadd.s32 s4, s6;
	[dreg:$0x0] =	wrdreg $0x0  }
0xb7: {  	s6 =	sshll.u32 s28, $0x1;
	[dreg:$0x2] =	wrdreg s4  }
0xb8: {  	[dreg:$0x3] =	wrdreg s6  }
0xb9: {  	[dreg:$0x4] =	wrdreg $0xC0  }
0xba: {  	_ =	task [dreg:s22], $0x5FFFF  }
0xbb: {  	[dreg:$0x1] =	wrdreg $0xFFFFFFFF  }
0xbc: {  	[dreg:$0x0] =	wrdreg $0x60  }
0xbd: {  	[dreg:$0x2] =	wrdreg s18  }
0xbe: {  	[dreg:$0x3] =	wrdreg s24  }
0xbf: {  	[dreg:$0x4] =	wrdreg $0x9  }
0xc0: {  	_ =	task.clear_ibuf [dreg:s22], $0x5FFFF;
	_ =	strace $0x90000049  }
0xc1: {  	s29 =	simm.s32 $0x9;
	_ =	strace $0x8000004B  }
0xc2: {  	_ =	swait.ge [sflag:s29], $0x1  }
0xc3: {  	[sflag:s29] =	ssyncadd.s32 $0xFFFFFFFF  }
0xc4: {  	_ =	strace $0x9000004B  }
0xc5: {  	_ =	sfence  }
0xc6: {  	s30 =	sld [smem:$0x0];
	_ =	sdelay $0x2  }
0xc7: {  	s31 =	sshll.u32 s1, $0xD;
	s1 =	sshrl.u32 s1, $0x2  }
0xc8: {  	s4 =	sand.u32 $0x4000, s31;
	s1 =	sadd.s32 s1, s30  }
0xc9: {  	s0 =	sor.u32 s4, s0;
	s1 =	sshll.u32 s1, $0x11  }
0xca: {  	s0 =	sor.u32 s1, s0  }
0xcb: {  	s0 =	sadd.s32 $0x8F2B, s0  }
0xcc: {  	[sflag:s0] =	ssyncadd.remote.s32 $0x1  }
0xcd: {  	_ =	sfence.sel $0xFFFF  }
0xce: {  	[dreg:$0x0] =	wrdreg $0xFFFFFFFF;
	(pc) =	sbr.abs _section_cstart, $3  }
0xcf: {  	[dreg:$0x1] =	wrdreg $0xFFFFFFFF  }
0xd0: {  	_ =	task.clear_ibuf [dreg:s22], $0x2FFFF;
	_ =	strace $0x9FFFFFFF  }
0xd1: {  	(tm) =	ssettm $0x7FFFFFFF  }
tec
execute0_lowered:
.L_overlay_start_1:
0x0: {  	(tag) =	ssettag $0x1  }
0x1: {  	s4 =	rddreg [dreg:$0x0]  }
0x2: {  	s5 =	rddreg [dreg:$0x1]  }
0x3: {  	s0 =	rddreg [dreg:$0x2];
	s2 =	simm.s32 $0x0;
	s3 =	srdreg.scid  }
0x4: {  	s1 =	stileid.u32;
	s10 =	simm.s32 $0x0;
	s6 =	sand.u32 $0x1, s3  }
0x5: {  	[smem:$0x7FF] =	sst s2;
	s7 =	sshll.u32 s1, $0xA;
	s8 =	sshll.u32 s6, $0x9  }
0x6: {  	s3 =	sadd.s32 $0x297400, s5;
	s6 =	ssub.s32 $0x2, s6;
	s7 =	sor.u32 s8, s7  }
0x7: {  	_ =	strace $0x8000004A;
	s9 =	sshrl.u32 s6, $0x1;
	s8 =	sshll.u32 s7, $0x4  }
0x8: {  	s7 =	sshrl.u32 s7, $0x3;
	s6 =	ssub.s32 s6, s9;
	s9 =	simm.s32 $0x200  }
0x9: {  	s5 =	sadd.s32 s8, s5;
	s4 =	sadd.s32 s4, s7;
	s6 =	smax.u32 s6, $0x1  }
0xa: {  	s7 =	simm.s32 $0x2;
	s8 =	simm.s32 $0x1;
	s5 =	sadd.s32 $0x41DE00, s5  }
.LBB2_1:
0xb: {  	[tilespmem:s2], [sflag:$0x2] =	stream.linear.gather [hbm4b:s4+s2], $0x200, $0x38;
	[tilespmem:$0x10200] =	vst v63  }
0xc: {  	_ =	swait.ge [sflag:s7], $0x200  }
0xd: {  	[sflag:s7] =	ssyncset.done $0x0  }
0xe: {  	[sflag:s7] =	ssyncadd.s32 $0xFFFFFE00  }
0xf: {  	v0 =	vld [tilespmem:s2+$0x0];
	_ =	sdelay $0x4  }
0x10: {  	v0 =	vshll.u32 v0, $0x4  }
0x11: {  	(v2sf) =	vpush v0, $0x0  }
0x12: {  	(v2sf) =	vpush v0, $0x1  }
0x13: {  	(v2sf) =	vpush v0, $0x2;
	_ =	sdelay $0x1  }
0x14: {  	(v2sf) =	vpush v0, $0x4;
	_ =	sdelay $0x1  }
0x15: {  	(v2sf) =	vpush v0, $0x3  }
0x16: {  	(v2sf) =	vpush v0, $0x5  }
0x17: {  	s12 =	simm.s32 $0x2000;
	s11 =	simm.s32 $0x0;
	s13 =	simm.s32 $0x0;
	(v2sf) =	vpush v0, $0x6  }
.LBB2_2:
0x18: {  	p0 =	sne.s32 s12, $0x3E000  }
0x19: {  	s23 =	sadd.s32 $0x280, s11;
	s17 =	sadd.s32 $0x780, s11;
	s14 =	smov.u32 s12  }
0x1a: {  	s12 =	sadd.s32 $0x2000, s12;
	s20 =	sadd.s32 $0x580, s11;
	s15 =	sadd.s32 $0x800, s11;
	(v2sf) =	vpush v0, $0x7  }
0x1b: {  	s22 =	sadd.s32 $0x480, s11;
	s19 =	sadd.s32 $0x600, s11;
	s16 =	sadd.s32 $0x880, s11  }
0x1c: {  	s24 =	sadd.s32 $0x200, s11;
	s25 =	sadd.s32 $0x400, s11;
	(v2sf) =	vpush v0, $0x8  }
0x1d: {  	s26 =	sadd.s32 $0x500, s11;
	s13 =	sadd.s32 $0x10, s13  }
0x1e: {  	s28 =	sadd.s32 $0x300, s11;
	s18 =	sadd.s32 $0x700, s11;
	s21 =	spop (v2sf);
	(v2sf) =	vpush v0, $0x9  }
0x1f: {  	s29 =	sand.u32 $0x1FFFFFF0, s21;
	s21 =	sadd.s32 $0x680, s11;
	s30 =	spop (v2sf)  }
0x20: {  	s29 =	sadd.s32 s3, s29;
	s30 =	sand.u32 $0x1FFFFFF0, s30;
	s31 =	spop (v2sf);
	(v2sf) =	vpush v0, $0xA  }
0x21: {  	[tilespmem:s24], [sflag:$0x1] =	stream.linear.gather [hbm4b:s29+s2], $0x80, $0x38;
	[tilespmem:$0x10200] =	vst v63  }
0x22: {  	s24 =	sadd.s32 s3, s30;
	s29 =	sadd.s32 $0x380, s11;
	s30 =	spop (v2sf);
	(v2sf) =	vpush v0, $0xB  }
0x23: {  	[tilespmem:s23], [sflag:$0x1] =	stream.linear.gather [hbm4b:s24+s2], $0x80, $0x38;
	[tilespmem:$0x10200] =	vst v63  }
0x24: {  	s23 =	sand.u32 $0x1FFFFFF0, s31;
	s24 =	sand.u32 $0x1FFFFFF0, s30;
	s30 =	spop (v2sf);
	(v2sf) =	vpush v0, $0xC  }
0x25: {  	s23 =	sadd.s32 s3, s23;
	s30 =	sand.u32 $0x1FFFFFF0, s30;
	s31 =	spop (v2sf)  }
0x26: {  	[tilespmem:s28], [sflag:$0x1] =	stream.linear.gather [hbm4b:s23+s2], $0x80, $0x38;
	(v2sf) =	vpush v0, $0xD;
	[tilespmem:$0x10200] =	vst v63  }
0x27: {  	s23 =	sadd.s32 s3, s30;
	s28 =	sand.u32 $0x1FFFFFF0, s31;
	s30 =	spop (v2sf)  }
0x28: {  	[tilespmem:s29], [sflag:$0x1] =	stream.linear.gather [hbm4b:s23+s2], $0x80, $0x38;
	(v2sf) =	vpush v0, $0xE;
	[tilespmem:$0x10200] =	vst v63  }
0x29: {  	s23 =	sadd.s32 s3, s24;
	s24 =	sand.u32 $0x1FFFFFF0, s30;
	s29 =	spop (v2sf)  }
0x2a: {  	[tilespmem:s25], [sflag:$0x1] =	stream.linear.gather [hbm4b:s23+s2], $0x80, $0x38;
	(v2sf) =	vpush v0, $0xF;
	[tilespmem:$0x10200] =	vst v63  }
0x2b: {  	s23 =	sadd.s32 s3, s28;
	s25 =	sand.u32 $0x1FFFFFF0, s29;
	s28 =	spop (v2sf)  }
0x2c: {  	[tilespmem:s22], [sflag:$0x1] =	stream.linear.gather [hbm4b:s23+s2], $0x80, $0x38;
	[tilespmem:$0x10200] =	vst v63  }
0x2d: {  	s22 =	sadd.s32 s3, s24;
	s23 =	sand.u32 $0x1FFFFFF0, s28;
	s24 =	spop (v2sf)  }
0x2e: {  	[tilespmem:s26], [sflag:$0x1] =	stream.linear.gather [hbm4b:s22+s2], $0x80, $0x38;
	[tilespmem:$0x10200] =	vst v63  }
0x2f: {  	s22 =	sadd.s32 s3, s25;
	s24 =	sand.u32 $0x1FFFFFF0, s24;
	s25 =	spop (v2sf)  }
0x30: {  	[tilespmem:s20], [sflag:$0x1] =	stream.linear.gather [hbm4b:s22+s2], $0x80, $0x38;
	[tilespmem:$0x10200] =	vst v63  }
0x31: {  	s20 =	sadd.s32 s3, s23;
	s22 =	sand.u32 $0x1FFFFFF0, s25;
	s23 =	spop (v2sf)  }
0x32: {  	[tilespmem:s19], [sflag:$0x1] =	stream.linear.gather [hbm4b:s20+s2], $0x80, $0x38;
	[tilespmem:$0x10200] =	vst v63  }
0x33: {  	s19 =	sadd.s32 s3, s24;
	s20 =	sand.u32 $0x1FFFFFF0, s23;
	s23 =	spop (v2sf)  }
0x34: {  	[tilespmem:s21], [sflag:$0x1] =	stream.linear.gather [hbm4b:s19+s2], $0x80, $0x38;
	[tilespmem:$0x10200] =	vst v63  }
0x35: {  	s19 =	sadd.s32 s3, s22;
	s21 =	sand.u32 $0x1FFFFFF0, s23;
	s22 =	spop (v2sf)  }
0x36: {  	[tilespmem:s18], [sflag:$0x1] =	stream.linear.gather [hbm4b:s19+s2], $0x80, $0x38;
	[tilespmem:$0x10200] =	vst v63  }
0x37: {  	s18 =	sadd.s32 s3, s20;
	s19 =	sand.u32 $0x1FFFFFF0, s22;
	s20 =	spop (v2sf)  }
0x38: {  	[tilespmem:s17], [sflag:$0x1] =	stream.linear.gather [hbm4b:s18+s2], $0x80, $0x38;
	[tilespmem:$0x10200] =	vst v63  }
0x39: {  	s17 =	sadd.s32 s3, s21;
	s18 =	sand.u32 $0x1FFFFFF0, s20;
	s20 =	spop (v2sf)  }
0x3a: {  	[tilespmem:s15], [sflag:$0x1] =	stream.linear.gather [hbm4b:s17+s2], $0x80, $0x38;
	[tilespmem:$0x10200] =	vst v63  }
0x3b: {  	s15 =	sadd.s32 s3, s19;
	s17 =	sand.u32 $0x1FFFFFF0, s20  }
0x3c: {  	[tilespmem:s16], [sflag:$0x1] =	stream.linear.gather [hbm4b:s15+s2], $0x80, $0x38;
	[tilespmem:$0x10200] =	vst v63  }
0x3d: {  	s15 =	sadd.s32 $0x900, s11;
	s16 =	sadd.s32 s3, s18  }
0x3e: {  	[tilespmem:s15], [sflag:$0x1] =	stream.linear.gather [hbm4b:s16+s2], $0x80, $0x38;
	[tilespmem:$0x10200] =	vst v63  }
0x3f: {  	s11 =	sadd.s32 $0x980, s11;
	s15 =	sadd.s32 s3, s17  }
0x40: {  	[tilespmem:s11], [sflag:$0x1] =	stream.linear.gather [hbm4b:s15+s2], $0x80, $0x38;
	[tilespmem:$0x10200] =	vst v63  }
0x41: {  	v0 =	vld [tilespmem:s13+$0x0];
	_ =	sdelay $0x4  }
0x42: {  	v0 =	vshll.u32 v0, $0x4  }
0x43: {  	(v2sf) =	vpush v0, $0x0  }
0x44: {  	(v2sf) =	vpush v0, $0x1  }
0x45: {  	(v2sf) =	vpush v0, $0x2;
	_ =	sdelay $0x1  }
0x46: {  	(v2sf) =	vpush v0, $0x4  }
.Ltmp0:
0x47: {  	(pc) =	sbr.rel @p0 .LBB2_2-.Ltmp0, $3  }
0x48: {  	(v2sf) =	vpush v0, $0x3  }
0x49: {  	(v2sf) =	vpush v0, $0x5;
	_ =	sdelay $0x1  }
0x4a: {  	s11 =	sshra.s32 s14, $0x2;
	(v2sf) =	vpush v0, $0x6  }
0x4b: {  	_ =	sdelay $0x1  }
0x4c: {  	s15 =	sadd.s32 $0x280, s11;
	s14 =	sadd.s32 $0x780, s11  }
0x4d: {  	s16 =	sadd.s32 $0x580, s11;
	s12 =	sadd.s32 $0x800, s11;
	(v2sf) =	vpush v0, $0x7;
	s17 =	sadd.s32 $0x480, s11  }
0x4e: {  	s18 =	sadd.s32 $0x600, s11;
	s13 =	sadd.s32 $0x880, s11;
	s19 =	sadd.s32 $0x200, s11  }
0x4f: {  	s20 =	sadd.s32 $0x400, s11;
	s21 =	sadd.s32 $0x500, s11;
	(v2sf) =	vpush v0, $0x8;
	s22 =	spop (v2sf)  }
0x50: {  	s23 =	sadd.s32 $0x300, s11;
	s22 =	sand.u32 $0x1FFFFFF0, s22;
	s24 =	spop (v2sf)  }
0x51: {  	(v2sf) =	vpush v0, $0x9;
	s22 =	sadd.s32 s3, s22;
	s24 =	sand.u32 $0x1FFFFFF0, s24;
	s25 =	spop (v2sf)  }
0x52: {  	[tilespmem:s19], [sflag:$0x1] =	stream.linear.gather [hbm4b:s22+s2], $0x80, $0x38;
	[tilespmem:$0x10200] =	vst v63  }
0x53: {  	s26 =	sadd.s32 $0x380, s11;
	(v2sf) =	vpush v0, $0xA;
	s30 =	sadd.s32 s3, s24;
	s31 =	spop (v2sf)  }
0x54: {  	[tilespmem:s15], [sflag:$0x1] =	stream.linear.gather [hbm4b:s30+s2], $0x80, $0x38;
	[tilespmem:$0x10200] =	vst v63  }
0x55: {  	s19 =	sadd.s32 $0x700, s11;
	s28 =	sand.u32 $0x1FFFFFF0, s25;
	(v2sf) =	vpush v0, $0xB;
	s29 =	spop (v2sf)  }
0x56: {  	s22 =	sadd.s32 s3, s28;
	s15 =	sadd.s32 $0x680, s11;
	s25 =	sand.u32 $0x1FFFFFF0, s29  }
0x57: {  	(v2sf) =	vpush v0, $0xC;
	[tilespmem:s23], [sflag:$0x1] =	stream.linear.gather [hbm4b:s22+s2], $0x80, $0x38;
	[tilespmem:$0x10200] =	vst v63  }
0x58: {  	s30 =	sand.u32 $0x1FFFFFF0, s31;
	s31 =	spop (v2sf);
	s28 =	sadd.s32 s3, s25  }
0x59: {  	(v2sf) =	vpush v0, $0xD;
	[tilespmem:s26], [sflag:$0x1] =	stream.linear.gather [hbm4b:s28+s2], $0x80, $0x38;
	[tilespmem:$0x10200] =	vst v63  }
0x5a: {  	s22 =	sadd.s32 s3, s30;
	s23 =	sand.u32 $0x1FFFFFF0, s31;
	s29 =	spop (v2sf)  }
0x5b: {  	(v2sf) =	vpush v0, $0xE;
	[tilespmem:s20], [sflag:$0x1] =	stream.linear.gather [hbm4b:s22+s2], $0x80, $0x38;
	[tilespmem:$0x10200] =	vst v63  }
0x5c: {  	s23 =	sadd.s32 s3, s23;
	s30 =	sand.u32 $0x1FFFFFF0, s29;
	s31 =	spop (v2sf)  }
0x5d: {  	(v2sf) =	vpush v0, $0xF;
	[tilespmem:s17], [sflag:$0x1] =	stream.linear.gather [hbm4b:s23+s2], $0x80, $0x38;
	[tilespmem:$0x10200] =	vst v63  }
0x5e: {  	s24 =	sand.u32 $0x1FFFFFF0, s31;
	s25 =	spop (v2sf);
	s20 =	sadd.s32 s3, s30  }
0x5f: {  	[tilespmem:s21], [sflag:$0x1] =	stream.linear.gather [hbm4b:s20+s2], $0x80, $0x38;
	[tilespmem:$0x10200] =	vst v63  }
0x60: {  	s26 =	sand.u32 $0x1FFFFFF0, s25;
	s17 =	sadd.s32 s3, s24;
	s28 =	spop (v2sf)  }
0x61: {  	[tilespmem:s16], [sflag:$0x1] =	stream.linear.gather [hbm4b:s17+s2], $0x80, $0x38;
	[tilespmem:$0x10200] =	vst v63  }
0x62: {  	s20 =	sadd.s32 s3, s26;
	s29 =	sand.u32 $0x1FFFFFF0, s28;
	s30 =	spop (v2sf)  }
0x63: {  	[tilespmem:s18], [sflag:$0x1] =	stream.linear.gather [hbm4b:s20+s2], $0x80, $0x38;
	[tilespmem:$0x10200] =	vst v63  }
0x64: {  	s17 =	sand.u32 $0x1FFFFFF0, s30;
	s16 =	sadd.s32 s3, s29;
	s31 =	spop (v2sf)  }
0x65: {  	[tilespmem:s15], [sflag:$0x1] =	stream.linear.gather [hbm4b:s16+s2], $0x80, $0x38;
	[tilespmem:$0x10200] =	vst v63  }
0x66: {  	s17 =	sadd.s32 s3, s17;
	s20 =	sand.u32 $0x1FFFFFF0, s31;
	s21 =	spop (v2sf)  }
0x67: {  	[tilespmem:s19], [sflag:$0x1] =	stream.linear.gather [hbm4b:s17+s2], $0x80, $0x38;
	[tilespmem:$0x10200] =	vst v63  }
0x68: {  	s15 =	sadd.s32 s3, s20;
	s16 =	sand.u32 $0x1FFFFFF0, s21;
	s22 =	spop (v2sf)  }
0x69: {  	[tilespmem:s14], [sflag:$0x1] =	stream.linear.gather [hbm4b:s15+s2], $0x80, $0x38;
	[tilespmem:$0x10200] =	vst v63  }
0x6a: {  	s23 =	sand.u32 $0x1FFFFFF0, s22;
	s16 =	sadd.s32 s3, s16;
	s24 =	spop (v2sf)  }
0x6b: {  	[tilespmem:s12], [sflag:$0x1] =	stream.linear.gather [hbm4b:s16+s2], $0x80, $0x38;
	[tilespmem:$0x10200] =	vst v63  }
0x6c: {  	s25 =	sand.u32 $0x1FFFFFF0, s24;
	s26 =	spop (v2sf);
	s14 =	sadd.s32 s3, s23  }
0x6d: {  	[tilespmem:s13], [sflag:$0x1] =	stream.linear.gather [hbm4b:s14+s2], $0x80, $0x38;
	[tilespmem:$0x10200] =	vst v63  }
0x6e: {  	s29 =	sadd.s32 $0x900, s11;
	s28 =	sand.u32 $0x1FFFFFF0, s26;
	s12 =	sadd.s32 s3, s25  }
0x6f: {  	[tilespmem:s29], [sflag:$0x1] =	stream.linear.gather [hbm4b:s12+s2], $0x80, $0x38;
	[tilespmem:$0x10200] =	vst v63  }
0x70: {  	s30 =	sadd.s32 $0x980, s11;
	s31 =	sadd.s32 s3, s28  }
0x71: {  	[tilespmem:s30], [sflag:$0x1] =	stream.linear.gather [hbm4b:s31+s2], $0x80, $0x38;
	[tilespmem:$0x10200] =	vst v63  }
0x72: {  	s10 =	sadd.s32 $0x1, s10;
	_ =	swait.ge [sflag:s8], $0x10000  }
0x73: {  	p0 =	sne.s32 s10, s6;
	[sflag:s8] =	ssyncset.done $0x0  }
.Ltmp1:
0x74: {  	[sflag:s8] =	ssyncadd.s32 $0xFFFF0000;
	(pc) =	sbr.rel @p0 .LBB2_1-.Ltmp1, $4  }
0x75: {  	[hbm4b:s5+s2] =	stream.linear.scatter [tilespmem:s9], [sflag:$0x2], $0x10000, $0x38;
	[tilespmem:$0x10200] =	vst v63  }
0x76: {  	_ =	swait.ge [sflag:s7], $0x10000  }
0x77: {  	[sflag:s7] =	ssyncset.done $0x0  }
0x78: {  	[sflag:s7] =	ssyncadd.s32 $0xFFFF0000  }
0x79: {  	_ =	sfence.sel $0x180000  }
0x7a: {  	[bflag:$0x0] =	sbarrier.arrive $0xFFFF  }
0x7b: {  	p0 =	sne.s32 s1, $0x0;
	_ =	strace $0x9000004A  }
0x7c: {  	s0 =	sadd.s32 @!p0 $0x100000, s0;
	[bflag:$0x2] =	sbarrier.arrive $0xFFFF  }
0x7d: {  	[sflag:s0] =	ssyncadd.tile.s32 @!p0 $0x1;
	_ =	shalt  }
.Lfunc_end2:
_tile_overlayer_lowered:
.L_overlay_start_2:
0x7e: {  	(tag) =	ssettag $0x2  }
0x7f: {  	s0 =	rddreg [dreg:$0x0];
	s2 =	stileid.u32  }
0x80: {  	s1 =	rddreg [dreg:$0x1];
	p0 =	sne.s32 s2, $0x0  }
0x81: {  	s3 =	rddreg [dreg:$0x2];
	[bflag:$0x3] =	sbarrier.arrive $0xFFFF;
	s2 =	simm.s32 @!p0 $0x1C02  }
0x82: {  	[timem:s3], [sflag:s2] =	dma.local @!p0 [hbm:s0], s1  }
0x83: {  	s0 =	simm.s32 @!p0 $0x2  }
0x84: {  	_ =	swait.ge @!p0 [sflag:s0], s1  }
0x85: {  	s1 =	ssub.s32 @!p0 $0x0, s1;
	[sflag:s0] =	ssyncset.done @!p0 $0x0  }
0x86: {  	[sflag:s0] =	ssyncadd.s32 @!p0 s1  }
0x87: {  	[bflag:$0x3] =	sbarrier.arrive $0xFFFF  }
0x88: {  	_ =	shalt  }

// kernel: kernel.8.cloned.1.call-start
scs
__scs_entry_jumppad:
0x0: {  	(pc) =	sbr.rel $0x88, $3  }
0x1: {  	(tag) =	ssettag $0x0;
	lr =	simm.s32 $0x1  }
0x2: {  	[smem:$0x3F8D] =	sst lr;
	_ =	strace $0xD0000000  }
0x3: {  	_ = 	snop  }
0x4: {  	_ = 	snop  }
0x5: {  	_ = 	snop  }
0x6: {  	_ = 	snop  }
0x7: {  	_ = 	snop  }
__scs_overlays_trampoline_lowered:
0x8: {  	[smem:$0x3F9C] =	sst s0  }
0x9: {  	[smem:$0x3F9D] =	sst s1  }
0xa: {  	[smem:$0x3F9E] =	sst s2  }
0xb: {  	[smem:$0x3F9F] =	sst s3  }
0xc: {  	[smem:$0x3FA0] =	sst s4  }
0xd: {  	[smem:$0x3FA1] =	sst s5  }
0xe: {  	[smem:$0x3FA2] =	sst s6  }
0xf: {  	[smem:$0x3FA3] =	sst s7  }
0x10: {  	[smem:$0x3FA4] =	sst s8  }
0x11: {  	[smem:$0x3FA5] =	sst s9;
	s0 =	simm.s32 @!p0 $0x0  }
0x12: {  	s1 =	sld [smem:$0x3F8B];
	s0 =	simm.s32 @p0 $0x1  }
0x13: {  	[smem:$0x3FA6] =	sst s0;
	s0 =	simm.s32 @!p1 $0x0  }
0x14: {  	s2 =	sld [smem:$0x3F8A];
	s0 =	simm.s32 @p1 $0x1  }
0x15: {  	[smem:$0x3FA7] =	sst s0;
	s0 =	simm.s32 @!p2 $0x0  }
0x16: {  	s3 =	sld [smem:$0x3FDB];
	s0 =	simm.s32 @p2 $0x1  }
0x17: {  	s4 =	simm.s32 $0x1BF5;
	[smem:$0x3FA9] =	sst s0  }
0x18: {  	s0 =	sld [smem:$0x3F8C];
	_ =	swait.ge [sflag:s4], $0x0  }
0x19: {  	s7 =	sld [smem:$0x3F8D]  }
0x1a: {  	s8 =	sadd.s32 $0xFFFFE003, lr  }
0x1b: {  	s9 =	sadd.s32 $0xFFFFFEF7, lr;
	s5 =	simm.s32 $0xFFFFFFFF;
	p2 =	slt.u32 s8, $0xFFFFF086  }
0x1c: {  	p1 =	slt.u32 s9, $0xF7A;
	s5 =	simm.s32 @!p2 $0x0  }
0x1d: {  	s5 =	simm.s32 @p1 $0x1;
	p0 =	seq.s32 s7, s2  }
0x1e: {  	s7 =	smul.u32 @!p0 $0xF7A, s2;
	p2 =	seq.s32 @!p0 s5, $0x0  }
0x1f: {  	s9 =	smul.u32 $0xF7A, s1;
	s8 =	simm.s32 @!p0 $0x1BF5;
	p2 =	por !p2, p0  }
0x20: {  	[sflag:s8] =	ssyncset.s32 @!p0 $0xFFFFF086;
	s6 =	sadd.s32 @!p0 s3, s7;
	s7 =	simm.s32 @!p0 $0x108  }
0x21: {  	s3 =	sadd.s32 s3, s9;
	s6 =	sadd.s32 @!p0 $0x88, s6;
	s7 =	simm.s32 @p2 $0x1082  }
0x22: {  	[simem:s7], [sflag:s8] =	dma.local @!p0 [hbm:s6], $0xF7A  }
0x23: {  	s9 =	sor.u32 $0xD0000000, s2;
	s6 =	simm.s32 $0x108;
	_ =	swait.ge @!p0 [sflag:s8], $0x0  }
0x24: {  	s3 =	sadd.s32 $0x88, s3;
	s6 =	simm.s32 @!p1 $0x1082;
	[sflag:s4] =	ssyncset.s32 $0xFFFFF086  }
0x25: {  	[simem:s6], [sflag:s4] =	dma.local [hbm:s3], $0xF7A  }
0x26: {  	[smem:$0x3F8D] =	sst s1;
	(tag) =	ssettag s2;
	_ =	strace s9  }
0x27: {  	s1 =	sld [smem:$0x3F9D]  }
0x28: {  	s2 =	sld [smem:$0x3F9E]  }
0x29: {  	s4 =	sld [smem:$0x3FA0]  }
0x2a: {  	p0 =	seq.s32 s5, $0x0;
	s5 =	sld [smem:$0x3FA1]  }
0x2b: {  	s6 =	sld [smem:$0x3FA2]  }
0x2c: {  	s7 =	sld [smem:$0x3FA3]  }
0x2d: {  	s3 =	simm.s32 $0x108;
	s8 =	sld [smem:$0x3FA4]  }
0x2e: {  	s3 =	simm.s32 @!p0 $0x1082;
	s9 =	sld [smem:$0x3FA5]  }
0x2f: {  	lr =	sadd.s32 s0, s3;
	s0 =	sld [smem:$0x3F9C]  }
0x30: {  	s3 =	sld [smem:$0x3F9F]  }
0x31: {  	[smem:$0x3FA8] =	sst s10  }
0x32: {  	s10 =	sld [smem:$0x3FA6];
	_ =	sdelay $0x3  }
0x33: {  	p0 =	seq.s32 s10, $0x1;
	s10 =	sld [smem:$0x3FA8];
	_ =	sdelay $0x3  }
0x34: {  	[smem:$0x3FA8] =	sst s10  }
0x35: {  	s10 =	sld [smem:$0x3FA7];
	_ =	sdelay $0x3  }
0x36: {  	p1 =	seq.s32 s10, $0x1;
	s10 =	sld [smem:$0x3FA8];
	_ =	sdelay $0x3  }
0x37: {  	[smem:$0x3FA8] =	sst s10  }
0x38: {  	s10 =	sld [smem:$0x3FA9]  }
0x39: {  	_ = 	snop;
	(pc) =	sbr.ind lr, $3  }
0x3a: {  	_ = 	snop  }
0x3b: {  	_ = 	snop  }
0x3c: {  	p2 =	seq.s32 s10, $0x1;
	s10 =	sld [smem:$0x3FA8]  }
0x3d: {  	_ =	shalt  }
0x3e: {  	_ =	shalt  }
0x3f: {  	_ =	shalt  }
0x40: {  	_ =	shalt  }
0x41: {  	_ =	shalt  }
0x42: {  	_ =	shalt  }
0x43: {  	_ =	shalt  }
0x44: {  	_ =	shalt  }
0x45: {  	_ =	shalt  }
0x46: {  	_ =	shalt  }
0x47: {  	_ =	shalt  }
0x48: {  	_ =	shalt  }
0x49: {  	_ =	shalt  }
0x4a: {  	_ =	shalt  }
0x4b: {  	_ =	shalt  }
0x4c: {  	_ =	shalt  }
0x4d: {  	_ =	shalt  }
0x4e: {  	_ =	shalt  }
0x4f: {  	_ =	shalt  }
0x50: {  	_ =	shalt  }
0x51: {  	_ =	shalt  }
0x52: {  	_ =	shalt  }
0x53: {  	_ =	shalt  }
0x54: {  	_ =	shalt  }
0x55: {  	_ =	shalt  }
0x56: {  	_ =	shalt  }
0x57: {  	_ =	shalt  }
0x58: {  	_ =	shalt  }
0x59: {  	_ =	shalt  }
0x5a: {  	_ =	shalt  }
0x5b: {  	_ =	shalt  }
0x5c: {  	_ =	shalt  }
0x5d: {  	_ =	shalt  }
0x5e: {  	_ =	shalt  }
0x5f: {  	_ =	shalt  }
0x60: {  	_ =	shalt  }
0x61: {  	_ =	shalt  }
0x62: {  	_ =	shalt  }
0x63: {  	_ =	shalt  }
0x64: {  	_ =	shalt  }
0x65: {  	_ =	shalt  }
0x66: {  	_ =	shalt  }
0x67: {  	_ =	shalt  }
0x68: {  	_ =	shalt  }
0x69: {  	_ =	shalt  }
0x6a: {  	_ =	shalt  }
0x6b: {  	_ =	shalt  }
0x6c: {  	_ =	shalt  }
0x6d: {  	_ =	shalt  }
0x6e: {  	_ =	shalt  }
0x6f: {  	_ =	shalt  }
0x70: {  	_ =	shalt  }
0x71: {  	_ =	shalt  }
0x72: {  	_ =	shalt  }
0x73: {  	_ =	shalt  }
0x74: {  	_ =	shalt  }
0x75: {  	_ =	shalt  }
0x76: {  	_ =	shalt  }
0x77: {  	_ =	shalt  }
0x78: {  	_ =	shalt  }
0x79: {  	_ =	shalt  }
0x7a: {  	_ =	shalt  }
0x7b: {  	_ =	shalt  }
0x7c: {  	_ =	shalt  }
0x7d: {  	_ =	shalt  }
0x7e: {  	_ =	shalt  }
0x7f: {  	_ =	shalt  }
0x80: {  	_ =	shalt  }
0x81: {  	_ =	shalt  }
0x82: {  	_ =	shalt  }
0x83: {  	_ =	shalt  }
0x84: {  	_ =	shalt  }
0x85: {  	_ =	shalt  }
0x86: {  	_ =	shalt  }
0x87: {  	_ =	shalt  }
.Lfunc_end0:
.L_simem_size_0:
called_computation.1_lowered:
.L_overlay_start_0:
0x88: {  	s2 =	sld [smem:$0x3FD9]  }
0x89: {  	s3 =	sld [smem:$0x3FFE];
	_ =	sdelay $0x1  }
0x8a: {  	s1 =	srdreg.scid  }
0x8b: {  	s0 =	sand.u32 $0x1, s1  }
0x8c: {  	s17 =	sshll.u32 s0, $0xA;
	s2 =	sadd.s32 s3, s2  }
0x8d: {  	s2 =	sadd.s32 s2, s17  }
0x8e: {  	[smem:$0x3FB4] =	sst s2  }
0x8f: {  	_ = 	snop  }
0x90: {  	s2 =	sld [smem:$0x3FC9]  }
0x91: {  	s18 =	sld [smem:$0x3FC6]  }
0x92: {  	s4 =	sld [smem:$0x3FC5]  }
0x93: {  	s5 =	sld [smem:$0x3FC4];
	(tm) =	ssettm $0x1  }
0x94: {  	s6 =	sld [smem:$0x3FFB];
	_ =	sdelay $0x3  }
0x95: {  	_ =	strace s6  }
0x96: {  	s6 =	sld [smem:$0x3FFC];
	_ =	sdelay $0x3  }
0x97: {  	_ =	strace s6  }
0x98: {  	s6 =	sld [smem:$0x3FFD];
	_ =	sdelay $0x3  }
0x99: {  	_ =	strace s6  }
0x9a: {  	_ =	strace $0x8FFFFFFF  }
0x9b: {  	s19 =	sld [smem:$0x3FDB];
	_ =	sdelay $0x1  }
0x9c: {  	s7 =	simm.s32 $_scs_section_size  }
0x9d: {  	s8 =	simm.s32 $_size__tile_overlayer_lowered;
	s9 =	simm.s32 $_tile_overlayer_lowered  }
0x9e: {  	s22 =	simm.s32 $0x1BFF;
	s21 =	sshll.u32 s9, $0x1;
	s6 =	sadd.s32 s7, s19  }
0x9f: {  	s10 =	simm.s32 $0x0;
	s20 =	sshll.u32 s8, $0x1;
	s8 =	sadd.s32 s21, s6  }
0xa0: {  	[timem:s10], [sflag:s22] =	dma.local [hbm:s8], s20  }
0xa1: {  	_ =	swait.ge [sflag:s22], s20  }
0xa2: {  	s7 =	ssub.s32 $0x0, s20;
	[sflag:s22] =	ssyncset.done $0x0  }
0xa3: {  	[sflag:s22] =	ssyncadd.s32 s7;
	_ =	sdelay $0x1  }
0xa4: {  	s23 =	simm.s32 $0x1B8B  }
0xa5: {  	_ =	swait.ge [sflag:s23], $0x1  }
0xa6: {  	[sflag:s23] =	ssyncset.done $0x0  }
0xa7: {  	s25 =	simm.s32 $0x1B8E;
	s24 =	sld [smem:$0x3FFE];
	[sflag:s23] =	ssyncadd.s32 $0xFFFFFFFF  }
0xa8: {  	s26 =	simm.s32 $execute0_lowered;
	[smem:$0x3FD2] =	sst s25  }
0xa9: {  	s8 =	sshll.u32 s26, $0x1;
	_ =	strace $0x80000046;
	[dreg:$0x1] =	wrdreg $0xFFFFFFFF  }
0xaa: {  	s28 =	simm.s32 $_size_execute0_lowered;
	s6 =	sadd.s32 s6, s8;
	[dreg:$0x0] =	wrdreg $0x0  }
0xab: {  	s8 =	sshll.u32 s28, $0x1;
	[dreg:$0x2] =	wrdreg s6  }
0xac: {  	[dreg:$0x3] =	wrdreg s8  }
0xad: {  	[dreg:$0x4] =	wrdreg $0xC0  }
0xae: {  	_ =	task [dreg:s10], $0x5FFFF  }
0xaf: {  	[dreg:$0x1] =	wrdreg $0xFFFFFFFF  }
0xb0: {  	[dreg:$0x0] =	wrdreg $0x60  }
0xb1: {  	[dreg:$0x2] =	wrdreg s2  }
0xb2: {  	[dreg:$0x3] =	wrdreg s18  }
0xb3: {  	[dreg:$0x4] =	wrdreg s4  }
0xb4: {  	[dreg:$0x5] =	wrdreg s5  }
0xb5: {  	[dreg:$0x6] =	wrdreg s24  }
0xb6: {  	[dreg:$0x7] =	wrdreg $0xA  }
0xb7: {  	_ =	task.clear_ibuf [dreg:s10], $0x8FFFF;
	_ =	strace $0x90000046  }
0xb8: {  	s29 =	simm.s32 $0xA;
	_ =	strace $0x80000048  }
0xb9: {  	_ =	swait.ge [sflag:s29], $0x1  }
0xba: {  	[sflag:s29] =	ssyncadd.s32 $0xFFFFFFFF  }
0xbb: {  	_ =	strace $0x90000048  }
0xbc: {  	_ =	sfence  }
0xbd: {  	s30 =	sld [smem:$0x0];
	_ =	sdelay $0x2  }
0xbe: {  	s31 =	sshll.u32 s1, $0xD;
	s1 =	sshrl.u32 s1, $0x2  }
0xbf: {  	s3 =	sand.u32 $0x4000, s31;
	s1 =	sadd.s32 s1, s30  }
0xc0: {  	s0 =	sor.u32 s3, s0;
	s1 =	sshll.u32 s1, $0x11  }
0xc1: {  	s0 =	sor.u32 s1, s0  }
0xc2: {  	s0 =	sadd.s32 $0x8F2B, s0  }
0xc3: {  	[sflag:s0] =	ssyncadd.remote.s32 $0x1  }
0xc4: {  	_ =	sfence.sel $0xFFFF  }
0xc5: {  	[dreg:$0x0] =	wrdreg $0xFFFFFFFF;
	(pc) =	sbr.abs _section_cstart, $3  }
0xc6: {  	[dreg:$0x1] =	wrdreg $0xFFFFFFFF  }
0xc7: {  	_ =	task.clear_ibuf [dreg:s10], $0x2FFFF;
	_ =	strace $0x9FFFFFFF  }
0xc8: {  	(tm) =	ssettm $0x7FFFFFFF  }
0xc9: {  	_ =	shalt  }
tec
execute0_lowered:
.L_overlay_start_1:
0x0: {  	(tag) =	ssettag $0x1  }
0x1: {  	s0 =	rddreg [dreg:$0x0]  }
0x2: {  	s2 =	rddreg [dreg:$0x1]  }
0x3: {  	s7 =	rddreg [dreg:$0x2]  }
0x4: {  	s8 =	rddreg [dreg:$0x3]  }
0x5: {  	s9 =	rddreg [dreg:$0x4];
	s5 =	srdreg.scid  }
0x6: {  	s1 =	simm.s32 $0x0;
	s6 =	stileid.u32;
	s10 =	sand.u32 $0x1, s5  }
0x7: {  	[smem:$0x7FF] =	sst s1;
	s11 =	sshll.u32 s6, $0xA;
	s12 =	sshll.u32 s10, $0x9  }
0x8: {  	s3 =	sadd.s32 $0x4A00, s9;
	s4 =	sadd.s32 $0x18B400, s9;
	s11 =	sor.u32 s12, s11  }
0x9: {  	s5 =	sadd.s32 $0x18F400, s9;
	s12 =	sshll.u32 s11, $0x4;
	s11 =	sshrl.u32 s11, $0x3  }
0xa: {  	s6 =	sadd.s32 $0x193400, s9;
	_ =	strace $0x80000047;
	s0 =	sadd.s32 s0, s11  }
0xb: {  	s10 =	ssub.s32 $0x2, s10;
	s22 =	sadd.s32 s2, s11;
	[dreg:$0x6] =	wrdreg s0  }
0xc: {  	s13 =	sshrl.u32 s10, $0x1;
	s24 =	sadd.s32 s7, s11;
	[dreg:$0x9] =	wrdreg s22  }
0xd: {  	s10 =	ssub.s32 s10, s13;
	s26 =	sadd.s32 s8, s11;
	[dreg:$0xb] =	wrdreg s24  }
0xe: {  	s9 =	sadd.s32 s12, s9;
	s31 =	smax.u32 s10, $0x1;
	[dreg:$0xd] =	wrdreg s26  }
0xf: {  	s20 =	sadd.s32 $0x197400, s9;
	[dreg:$0xf] =	wrdreg s31  }
0x10: {  	s17 =	simm.s32 $0x3;
	s21 =	sadd.s32 $0x198400, s9;
	[dreg:$0x7] =	wrdreg s20  }
0x11: {  	s18 =	simm.s32 $0x1;
	s23 =	sadd.s32 $0x1D7400, s9;
	[dreg:$0x8] =	wrdreg s21  }
0x12: {  	s28 =	simm.s32 $0x2;
	s25 =	sadd.s32 $0x217400, s9;
	[dreg:$0xa] =	wrdreg s23  }
0x13: {  	s29 =	simm.s32 $0x0;
	s30 =	sadd.s32 $0x257400, s9;
	[dreg:$0xc] =	wrdreg s25  }
0x14: {  	[dreg:$0xe] =	wrdreg s30;
	s20 =	simm.s32 $0x80;
	s21 =	simm.s32 $0x8200  }
.LBB2_1:
0x15: {  	s0 =	rddreg [dreg:$0x6]  }
0x16: {  	[tilespmem:s1], [sflag:$0x3] =	stream.linear.gather [hbm4b:s0+s1], $0x200, $0x38;
	[tilespmem:$0x18200] =	vst v63  }
0x17: {  	_ =	swait.ge [sflag:s17], $0x200  }
0x18: {  	[sflag:s17] =	ssyncset.done $0x0  }
0x19: {  	[sflag:s17] =	ssyncadd.s32 $0xFFFFFE00  }
0x1a: {  	v0 =	vld [tilespmem:s1+$0x0];
	_ =	sdelay $0x4  }
0x1b: {  	v0 =	vshll.u32 v0, $0x4  }
0x1c: {  	(v2sf) =	vpush v0, $0x0  }
0x1d: {  	(v2sf) =	vpush v0, $0x1  }
0x1e: {  	(v2sf) =	vpush v0, $0x2;
	_ =	sdelay $0x1  }
0x1f: {  	(v2sf) =	vpush v0, $0x4;
	_ =	sdelay $0x1  }
0x20: {  	(v2sf) =	vpush v0, $0x3  }
0x21: {  	(v2sf) =	vpush v0, $0x5  }
0x22: {  	s31 =	simm.s32 $0x2000;
	s30 =	simm.s32 $0x0;
	s0 =	simm.s32 $0x0;
	(v2sf) =	vpush v0, $0x6  }
.LBB2_2:
0x23: {  	p0 =	sne.s32 s31, $0x1E000  }
0x24: {  	s14 =	sadd.s32 $0x280, s30;
	s9 =	sadd.s32 $0x780, s30;
	s2 =	smov.u32 s31  }
0x25: {  	s31 =	sadd.s32 $0x2000, s31;
	s11 =	sadd.s32 $0x580, s30;
	s7 =	sadd.s32 $0x800, s30;
	(v2sf) =	vpush v0, $0x7  }
0x26: {  	s13 =	sadd.s32 $0x480, s30;
	s10 =	sadd.s32 $0x600, s30;
	s8 =	sadd.s32 $0x880, s30  }
0x27: {  	s15 =	sadd.s32 $0x200, s30;
	s16 =	sadd.s32 $0x400, s30;
	(v2sf) =	vpush v0, $0x8  }
0x28: {  	s22 =	sadd.s32 $0x500, s30;
	s0 =	sadd.s32 $0x10, s0  }
0x29: {  	s23 =	sadd.s32 $0x300, s30;
	s19 =	sadd.s32 $0x700, s30;
	s12 =	spop (v2sf);
	(v2sf) =	vpush v0, $0x9  }
0x2a: {  	s24 =	sand.u32 $0x1FFFFFF0, s12;
	s12 =	sadd.s32 $0x680, s30;
	s25 =	spop (v2sf)  }
0x2b: {  	s24 =	sadd.s32 s3, s24;
	s25 =	sand.u32 $0x1FFFFFF0, s25;
	s26 =	spop (v2sf);
	(v2sf) =	vpush v0, $0xA  }
0x2c: {  	[tilespmem:s15], [sflag:$0x1] =	stream.linear.gather [hbm4b:s24+s1], $0x80, $0x38;
	[tilespmem:$0x18200] =	vst v63  }
0x2d: {  	s15 =	sadd.s32 s3, s25;
	s24 =	sadd.s32 $0x380, s30;
	s25 =	spop (v2sf);
	(v2sf) =	vpush v0, $0xB  }
0x2e: {  	[tilespmem:s14], [sflag:$0x1] =	stream.linear.gather [hbm4b:s15+s1], $0x80, $0x38;
	[tilespmem:$0x18200] =	vst v63  }
0x2f: {  	s14 =	sand.u32 $0x1FFFFFF0, s26;
	s15 =	sand.u32 $0x1FFFFFF0, s25;
	s25 =	spop (v2sf);
	(v2sf) =	vpush v0, $0xC  }
0x30: {  	s14 =	sadd.s32 s3, s14;
	s25 =	sand.u32 $0x1FFFFFF0, s25;
	s26 =	spop (v2sf)  }
0x31: {  	[tilespmem:s23], [sflag:$0x1] =	stream.linear.gather [hbm4b:s14+s1], $0x80, $0x38;
	(v2sf) =	vpush v0, $0xD;
	[tilespmem:$0x18200] =	vst v63  }
0x32: {  	s14 =	sadd.s32 s3, s25;
	s23 =	sand.u32 $0x1FFFFFF0, s26;
	s25 =	spop (v2sf)  }
0x33: {  	[tilespmem:s24], [sflag:$0x1] =	stream.linear.gather [hbm4b:s14+s1], $0x80, $0x38;
	(v2sf) =	vpush v0, $0xE;
	[tilespmem:$0x18200] =	vst v63  }
0x34: {  	s14 =	sadd.s32 s3, s15;
	s15 =	sand.u32 $0x1FFFFFF0, s25;
	s24 =	spop (v2sf)  }
0x35: {  	[tilespmem:s16], [sflag:$0x1] =	stream.linear.gather [hbm4b:s14+s1], $0x80, $0x38;
	(v2sf) =	vpush v0, $0xF;
	[tilespmem:$0x18200] =	vst v63  }
0x36: {  	s14 =	sadd.s32 s3, s23;
	s16 =	sand.u32 $0x1FFFFFF0, s24;
	s23 =	spop (v2sf)  }
0x37: {  	[tilespmem:s13], [sflag:$0x1] =	stream.linear.gather [hbm4b:s14+s1], $0x80, $0x38;
	[tilespmem:$0x18200] =	vst v63  }
0x38: {  	s13 =	sadd.s32 s3, s15;
	s14 =	sand.u32 $0x1FFFFFF0, s23;
	s15 =	spop (v2sf)  }
0x39: {  	[tilespmem:s22], [sflag:$0x1] =	stream.linear.gather [hbm4b:s13+s1], $0x80, $0x38;
	[tilespmem:$0x18200] =	vst v63  }
0x3a: {  	s13 =	sadd.s32 s3, s16;
	s15 =	sand.u32 $0x1FFFFFF0, s15;
	s16 =	spop (v2sf)  }
0x3b: {  	[tilespmem:s11], [sflag:$0x1] =	stream.linear.gather [hbm4b:s13+s1], $0x80, $0x38;
	[tilespmem:$0x18200] =	vst v63  }
0x3c: {  	s11 =	sadd.s32 s3, s14;
	s13 =	sand.u32 $0x1FFFFFF0, s16;
	s14 =	spop (v2sf)  }
0x3d: {  	[tilespmem:s10], [sflag:$0x1] =	stream.linear.gather [hbm4b:s11+s1], $0x80, $0x38;
	[tilespmem:$0x18200] =	vst v63  }
0x3e: {  	s10 =	sadd.s32 s3, s15;
	s11 =	sand.u32 $0x1FFFFFF0, s14;
	s14 =	spop (v2sf)  }
0x3f: {  	[tilespmem:s12], [sflag:$0x1] =	stream.linear.gather [hbm4b:s10+s1], $0x80, $0x38;
	[tilespmem:$0x18200] =	vst v63  }
0x40: {  	s10 =	sadd.s32 s3, s13;
	s12 =	sand.u32 $0x1FFFFFF0, s14;
	s13 =	spop (v2sf)  }
0x41: {  	[tilespmem:s19], [sflag:$0x1] =	stream.linear.gather [hbm4b:s10+s1], $0x80, $0x38;
	[tilespmem:$0x18200] =	vst v63  }
0x42: {  	s10 =	sadd.s32 s3, s11;
	s11 =	sand.u32 $0x1FFFFFF0, s13;
	s13 =	spop (v2sf)  }
0x43: {  	[tilespmem:s9], [sflag:$0x1] =	stream.linear.gather [hbm4b:s10+s1], $0x80, $0x38;
	[tilespmem:$0x18200] =	vst v63  }
0x44: {  	s9 =	sadd.s32 s3, s12;
	s10 =	sand.u32 $0x1FFFFFF0, s13;
	s12 =	spop (v2sf)  }
0x45: {  	[tilespmem:s7], [sflag:$0x1] =	stream.linear.gather [hbm4b:s9+s1], $0x80, $0x38;
	[tilespmem:$0x18200] =	vst v63  }
0x46: {  	s7 =	sadd.s32 s3, s11;
	s9 =	sand.u32 $0x1FFFFFF0, s12  }
0x47: {  	[tilespmem:s8], [sflag:$0x1] =	stream.linear.gather [hbm4b:s7+s1], $0x80, $0x38;
	[tilespmem:$0x18200] =	vst v63  }
0x48: {  	s7 =	sadd.s32 $0x900, s30;
	s8 =	sadd.s32 s3, s10  }
0x49: {  	[tilespmem:s7], [sflag:$0x1] =	stream.linear.gather [hbm4b:s8+s1], $0x80, $0x38;
	[tilespmem:$0x18200] =	vst v63  }
0x4a: {  	s7 =	sadd.s32 $0x980, s30;
	s8 =	sadd.s32 s3, s9  }
0x4b: {  	[tilespmem:s7], [sflag:$0x1] =	stream.linear.gather [hbm4b:s8+s1], $0x80, $0x38;
	[tilespmem:$0x18200] =	vst v63  }
0x4c: {  	v0 =	vld [tilespmem:s0+$0x0];
	_ =	sdelay $0x4  }
0x4d: {  	v0 =	vshll.u32 v0, $0x4  }
0x4e: {  	(v2sf) =	vpush v0, $0x0  }
0x4f: {  	(v2sf) =	vpush v0, $0x1  }
0x50: {  	(v2sf) =	vpush v0, $0x2;
	_ =	sdelay $0x1  }
0x51: {  	(v2sf) =	vpush v0, $0x4  }
.Ltmp0:
0x52: {  	(pc) =	sbr.rel @p0 .LBB2_2-.Ltmp0, $3  }
0x53: {  	(v2sf) =	vpush v0, $0x3  }
0x54: {  	(v2sf) =	vpush v0, $0x5;
	_ =	sdelay $0x1  }
0x55: {  	s30 =	sshra.s32 s2, $0x2;
	(v2sf) =	vpush v0, $0x6  }
0x56: {  	_ =	sdelay $0x1  }
0x57: {  	s8 =	sadd.s32 $0x280, s30;
	s7 =	sadd.s32 $0x780, s30  }
0x58: {  	s9 =	sadd.s32 $0x580, s30;
	s0 =	sadd.s32 $0x800, s30;
	(v2sf) =	vpush v0, $0x7;
	s10 =	sadd.s32 $0x480, s30  }
0x59: {  	s11 =	sadd.s32 $0x600, s30;
	s2 =	sadd.s32 $0x880, s30;
	s12 =	sadd.s32 $0x200, s30  }
0x5a: {  	s13 =	sadd.s32 $0x400, s30;
	s14 =	sadd.s32 $0x500, s30;
	(v2sf) =	vpush v0, $0x8;
	s15 =	spop (v2sf)  }
0x5b: {  	s16 =	sadd.s32 $0x300, s30;
	s15 =	sand.u32 $0x1FFFFFF0, s15;
	s19 =	spop (v2sf)  }
0x5c: {  	(v2sf) =	vpush v0, $0x9;
	s15 =	sadd.s32 s3, s15;
	s19 =	sand.u32 $0x1FFFFFF0, s19;
	s22 =	spop (v2sf)  }
0x5d: {  	[tilespmem:s12], [sflag:$0x1] =	stream.linear.gather [hbm4b:s15+s1], $0x80, $0x38;
	[tilespmem:$0x18200] =	vst v63  }
0x5e: {  	s23 =	sadd.s32 $0x380, s30;
	(v2sf) =	vpush v0, $0xA;
	s25 =	sadd.s32 s3, s19;
	s26 =	spop (v2sf)  }
0x5f: {  	[tilespmem:s8], [sflag:$0x1] =	stream.linear.gather [hbm4b:s25+s1], $0x80, $0x38;
	[tilespmem:$0x18200] =	vst v63  }
0x60: {  	s12 =	sadd.s32 $0x700, s30;
	s22 =	sand.u32 $0x1FFFFFF0, s22;
	(v2sf) =	vpush v0, $0xB;
	s24 =	spop (v2sf)  }
0x61: {  	s15 =	sadd.s32 s3, s22;
	s8 =	sadd.s32 $0x680, s30;
	s22 =	sand.u32 $0x1FFFFFF0, s24  }
0x62: {  	(v2sf) =	vpush v0, $0xC;
	[tilespmem:s16], [sflag:$0x1] =	stream.linear.gather [hbm4b:s15+s1], $0x80, $0x38;
	[tilespmem:$0x18200] =	vst v63  }
0x63: {  	s25 =	sand.u32 $0x1FFFFFF0, s26;
	s26 =	spop (v2sf);
	s22 =	sadd.s32 s3, s22  }
0x64: {  	(v2sf) =	vpush v0, $0xD;
	[tilespmem:s23], [sflag:$0x1] =	stream.linear.gather [hbm4b:s22+s1], $0x80, $0x38;
	[tilespmem:$0x18200] =	vst v63  }
0x65: {  	s15 =	sadd.s32 s3, s25;
	s16 =	sand.u32 $0x1FFFFFF0, s26;
	s23 =	spop (v2sf)  }
0x66: {  	(v2sf) =	vpush v0, $0xE;
	[tilespmem:s13], [sflag:$0x1] =	stream.linear.gather [hbm4b:s15+s1], $0x80, $0x38;
	[tilespmem:$0x18200] =	vst v63  }
0x67: {  	s16 =	sadd.s32 s3, s16;
	s24 =	sand.u32 $0x1FFFFFF0, s23;
	s25 =	spop (v2sf)  }
0x68: {  	(v2sf) =	vpush v0, $0xF;
	[tilespmem:s10], [sflag:$0x1] =	stream.linear.gather [hbm4b:s16+s1], $0x80, $0x38;
	[tilespmem:$0x18200] =	vst v63  }
0x69: {  	s26 =	sand.u32 $0x1FFFFFF0, s25;
	s13 =	sadd.s32 s3, s24;
	s16 =	spop (v2sf)  }
0x6a: {  	[tilespmem:s14], [sflag:$0x1] =	stream.linear.gather [hbm4b:s13+s1], $0x80, $0x38;
	[tilespmem:$0x18200] =	vst v63  }
0x6b: {  	s10 =	sadd.s32 s3, s26;
	s19 =	sand.u32 $0x1FFFFFF0, s16;
	s22 =	spop (v2sf)  }
0x6c: {  	[tilespmem:s9], [sflag:$0x1] =	stream.linear.gather [hbm4b:s10+s1], $0x80, $0x38;
	[tilespmem:$0x18200] =	vst v63  }
0x6d: {  	s13 =	sadd.s32 s3, s19;
	s23 =	sand.u32 $0x1FFFFFF0, s22;
	s24 =	spop (v2sf)  }
0x6e: {  	[tilespmem:s11], [sflag:$0x1] =	stream.linear.gather [hbm4b:s13+s1], $0x80, $0x38;
	[tilespmem:$0x18200] =	vst v63  }
0x6f: {  	s10 =	sand.u32 $0x1FFFFFF0, s24;
	s9 =	sadd.s32 s3, s23;
	s25 =	spop (v2sf)  }
0x70: {  	[tilespmem:s8], [sflag:$0x1] =	stream.linear.gather [hbm4b:s9+s1], $0x80, $0x38;
	[tilespmem:$0x18200] =	vst v63  }
0x71: {  	s10 =	sadd.s32 s3, s10;
	s26 =	sand.u32 $0x1FFFFFF0, s25;
	s11 =	spop (v2sf)  }
0x72: {  	[tilespmem:s12], [sflag:$0x1] =	stream.linear.gather [hbm4b:s10+s1], $0x80, $0x38;
	[tilespmem:$0x18200] =	vst v63  }
0x73: {  	s8 =	sadd.s32 s3, s26;
	s9 =	sand.u32 $0x1FFFFFF0, s11;
	s12 =	spop (v2sf)  }
0x74: {  	[tilespmem:s7], [sflag:$0x1] =	stream.linear.gather [hbm4b:s8+s1], $0x80, $0x38;
	[tilespmem:$0x18200] =	vst v63  }
0x75: {  	s9 =	sadd.s32 s3, s9;
	s13 =	sand.u32 $0x1FFFFFF0, s12;
	s14 =	spop (v2sf)  }
0x76: {  	[tilespmem:s0], [sflag:$0x1] =	stream.linear.gather [hbm4b:s9+s1], $0x80, $0x38;
	[tilespmem:$0x18200] =	vst v63  }
0x77: {  	s15 =	sand.u32 $0x1FFFFFF0, s14;
	s16 =	spop (v2sf);
	s7 =	sadd.s32 s3, s13  }
0x78: {  	[tilespmem:s2], [sflag:$0x1] =	stream.linear.gather [hbm4b:s7+s1], $0x80, $0x38;
	[tilespmem:$0x18200] =	vst v63  }
0x79: {  	s22 =	sadd.s32 $0x900, s30;
	s19 =	sand.u32 $0x1FFFFFF0, s16;
	s0 =	sadd.s32 s3, s15  }
0x7a: {  	[tilespmem:s22], [sflag:$0x1] =	stream.linear.gather [hbm4b:s0+s1], $0x80, $0x38;
	[tilespmem:$0x18200] =	vst v63  }
0x7b: {  	s23 =	sadd.s32 $0x980, s30;
	s2 =	sadd.s32 s3, s19  }
0x7c: {  	[tilespmem:s23], [sflag:$0x1] =	stream.linear.gather [hbm4b:s2+s1], $0x80, $0x38;
	[tilespmem:$0x18200] =	vst v63  }
0x7d: {  	_ =	swait.ge [sflag:s18], $0x8000  }
0x7e: {  	s30 =	simm.s32 $0x0;
	[sflag:s18] =	ssyncset.done $0x0  }
0x7f: {  	s25 =	simm.s32 $0x200;
	s24 =	rddreg [dreg:$0x7];
	[sflag:s18] =	ssyncadd.s32 $0xFFFF8000  }
0x80: {  	[hbm4b:s24+s30] =	stream.linear.scatter [tilespmem:s25], [sflag:$0x3], $0x8000, $0x38;
	[tilespmem:$0x18200] =	vst v63  }
0x81: {  	_ =	swait.ge [sflag:s17], $0x8000  }
0x82: {  	[sflag:s17] =	ssyncset.done $0x0  }
0x83: {  	s26 =	sand.u32 $0xF0, s30;
	[sflag:s17] =	ssyncadd.s32 $0xFFFF8000  }
0x84: {  	v0 =	vld [tilespmem:s26+$0x100];
	_ =	sdelay $0x4  }
0x85: {  	v0 =	vshll.u32 v0, $0x4  }
0x86: {  	(v2sf) =	vpush v0, $0x0  }
0x87: {  	(v2sf) =	vpush v0, $0x2  }
0x88: {  	(v2sf) =	vpush v0, $0x1;
	_ =	sdelay $0x1  }
0x89: {  	(v2sf) =	vpush v0, $0x3  }
0x8a: {  	(v2sf) =	vpush v0, $0x4;
	_ =	sdelay $0x2  }
0x8b: {  	s31 =	simm.s32 $0x2000;
	s0 =	simm.s32 $0x10  }
.LBB2_4:
0x8c: {  	p0 =	sne.s32 s31, $0x1E000;
	(v2sf) =	vpush v0, $0x5;
	s7 =	smov.u32 s31;
	s31 =	sadd.s32 $0x2000, s31  }
0x8d: {  	s2 =	sshra.s32 s30, $0x2;
	s30 =	smov.u32 s7  }
0x8e: {  	s13 =	sadd.s32 $0x280, s2;
	(v2sf) =	vpush v0, $0x6  }
0x8f: {  	s14 =	sadd.s32 $0x200, s2  }
0x90: {  	s9 =	sadd.s32 $0x780, s2;
	s8 =	sadd.s32 $0x800, s2;
	s7 =	sadd.s32 $0x880, s2;
	(v2sf) =	vpush v0, $0x7  }
0x91: {  	s11 =	sadd.s32 $0x600, s2;
	s10 =	sadd.s32 $0x680, s2;
	s19 =	sadd.s32 $0x700, s2  }
0x92: {  	s15 =	sadd.s32 $0x500, s2;
	s12 =	sadd.s32 $0x580, s2;
	s16 =	spop (v2sf);
	(v2sf) =	vpush v0, $0x8  }
0x93: {  	s22 =	sadd.s32 $0x300, s2;
	s16 =	sand.u32 $0x1FFFFFF0, s16;
	s23 =	spop (v2sf)  }
0x94: {  	s24 =	sadd.s32 $0x480, s2;
	s16 =	sadd.s32 s3, s16;
	s25 =	spop (v2sf);
	(v2sf) =	vpush v0, $0x9  }
0x95: {  	[tilespmem:s14], [sflag:$0x1] =	stream.linear.gather [hbm4b:s16+s1], $0x80, $0x38;
	[tilespmem:$0x18200] =	vst v63  }
0x96: {  	s14 =	sand.u32 $0x1FFFFFF0, s25;
	s16 =	sand.u32 $0x1FFFFFF0, s23;
	s23 =	spop (v2sf);
	(v2sf) =	vpush v0, $0xA  }
0x97: {  	s25 =	sadd.s32 $0x400, s2;
	s14 =	sadd.s32 s3, s14;
	s26 =	spop (v2sf)  }
0x98: {  	[tilespmem:s13], [sflag:$0x1] =	stream.linear.gather [hbm4b:s14+s1], $0x80, $0x38;
	(v2sf) =	vpush v0, $0xB;
	[tilespmem:$0x18200] =	vst v63  }
0x99: {  	s13 =	sadd.s32 s3, s16;
	s14 =	sand.u32 $0x1FFFFFF0, s23;
	s16 =	sand.u32 $0x1FFFFFF0, s26  }
0x9a: {  	[tilespmem:s22], [sflag:$0x1] =	stream.linear.gather [hbm4b:s13+s1], $0x80, $0x38;
	(v2sf) =	vpush v0, $0xC;
	[tilespmem:$0x18200] =	vst v63  }
0x9b: {  	s14 =	sadd.s32 s3, s14;
	s13 =	sadd.s32 $0x380, s2;
	s22 =	spop (v2sf)  }
0x9c: {  	[tilespmem:s13], [sflag:$0x1] =	stream.linear.gather [hbm4b:s14+s1], $0x80, $0x38;
	(v2sf) =	vpush v0, $0xD;
	[tilespmem:$0x18200] =	vst v63  }
0x9d: {  	s13 =	sadd.s32 s3, s16;
	s14 =	sand.u32 $0x1FFFFFF0, s22;
	s16 =	spop (v2sf)  }
0x9e: {  	[tilespmem:s25], [sflag:$0x1] =	stream.linear.gather [hbm4b:s13+s1], $0x80, $0x38;
	(v2sf) =	vpush v0, $0xE;
	[tilespmem:$0x18200] =	vst v63  }
0x9f: {  	s13 =	sadd.s32 s3, s14;
	s14 =	sand.u32 $0x1FFFFFF0, s16;
	s16 =	spop (v2sf)  }
0xa0: {  	[tilespmem:s24], [sflag:$0x1] =	stream.linear.gather [hbm4b:s13+s1], $0x80, $0x38;
	(v2sf) =	vpush v0, $0xF;
	[tilespmem:$0x18200] =	vst v63  }
0xa1: {  	s13 =	sadd.s32 s3, s14;
	s14 =	sand.u32 $0x1FFFFFF0, s16;
	s16 =	spop (v2sf)  }
0xa2: {  	[tilespmem:s15], [sflag:$0x1] =	stream.linear.gather [hbm4b:s13+s1], $0x80, $0x38;
	[tilespmem:$0x18200] =	vst v63  }
0xa3: {  	s13 =	sadd.s32 s3, s14;
	s14 =	sand.u32 $0x1FFFFFF0, s16;
	s15 =	spop (v2sf)  }
0xa4: {  	[tilespmem:s12], [sflag:$0x1] =	stream.linear.gather [hbm4b:s13+s1], $0x80, $0x38;
	[tilespmem:$0x18200] =	vst v63  }
0xa5: {  	s12 =	sadd.s32 s3, s14;
	s13 =	sand.u32 $0x1FFFFFF0, s15;
	s14 =	spop (v2sf)  }
0xa6: {  	[tilespmem:s11], [sflag:$0x1] =	stream.linear.gather [hbm4b:s12+s1], $0x80, $0x38;
	[tilespmem:$0x18200] =	vst v63  }
0xa7: {  	s11 =	sadd.s32 s3, s13;
	s12 =	sand.u32 $0x1FFFFFF0, s14;
	s13 =	spop (v2sf)  }
0xa8: {  	[tilespmem:s10], [sflag:$0x1] =	stream.linear.gather [hbm4b:s11+s1], $0x80, $0x38;
	[tilespmem:$0x18200] =	vst v63  }
0xa9: {  	s10 =	sadd.s32 s3, s12;
	s11 =	sand.u32 $0x1FFFFFF0, s13;
	s12 =	spop (v2sf)  }
0xaa: {  	[tilespmem:s19], [sflag:$0x1] =	stream.linear.gather [hbm4b:s10+s1], $0x80, $0x38;
	[tilespmem:$0x18200] =	vst v63  }
0xab: {  	s10 =	sadd.s32 s3, s11;
	s11 =	sand.u32 $0x1FFFFFF0, s12;
	s12 =	spop (v2sf)  }
0xac: {  	[tilespmem:s9], [sflag:$0x1] =	stream.linear.gather [hbm4b:s10+s1], $0x80, $0x38;
	[tilespmem:$0x18200] =	vst v63  }
0xad: {  	s9 =	sadd.s32 s3, s11;
	s10 =	sand.u32 $0x1FFFFFF0, s12;
	s11 =	spop (v2sf)  }
0xae: {  	[tilespmem:s8], [sflag:$0x1] =	stream.linear.gather [hbm4b:s9+s1], $0x80, $0x38;
	[tilespmem:$0x18200] =	vst v63  }
0xaf: {  	s8 =	sadd.s32 s3, s10;
	s9 =	sand.u32 $0x1FFFFFF0, s11;
	s10 =	spop (v2sf)  }
0xb0: {  	[tilespmem:s7], [sflag:$0x1] =	stream.linear.gather [hbm4b:s8+s1], $0x80, $0x38;
	[tilespmem:$0x18200] =	vst v63  }
0xb1: {  	s7 =	sadd.s32 $0x900, s2;
	s8 =	sadd.s32 s3, s9;
	s9 =	sand.u32 $0x1FFFFFF0, s10  }
0xb2: {  	[tilespmem:s7], [sflag:$0x1] =	stream.linear.gather [hbm4b:s8+s1], $0x80, $0x38;
	[tilespmem:$0x18200] =	vst v63  }
0xb3: {  	s2 =	sadd.s32 $0x980, s2;
	s7 =	sand.u32 $0xF0, s0;
	s8 =	sadd.s32 s3, s9  }
0xb4: {  	[tilespmem:s2], [sflag:$0x1] =	stream.linear.gather [hbm4b:s8+s1], $0x80, $0x38;
	[tilespmem:$0x18200] =	vst v63  }
0xb5: {  	v0 =	vld [tilespmem:s7+$0x100];
	_ =	sdelay $0x4  }
0xb6: {  	v0 =	vshll.u32 v0, $0x4  }
0xb7: {  	(v2sf) =	vpush v0, $0x0  }
0xb8: {  	(v2sf) =	vpush v0, $0x2  }
0xb9: {  	(v2sf) =	vpush v0, $0x1;
	_ =	sdelay $0x1  }
.Ltmp1:
0xba: {  	(v2sf) =	vpush v0, $0x3;
	(pc) =	sbr.rel @p0 .LBB2_4-.Ltmp1, $2  }
0xbb: {  	(v2sf) =	vpush v0, $0x4;
	_ =	sdelay $0x2  }
0xbc: {  	s0 =	sadd.s32 $0x10, s0  }
0xbd: {  	_ =	sdelay $0x5  }
0xbe: {  	s2 =	spop (v2sf)  }
0xbf: {  	s8 =	spop (v2sf);
	(v2sf) =	vpush v0, $0x5;
	_ =	sdelay $0x1  }
0xc0: {  	s23 =	spop (v2sf);
	(v2sf) =	vpush v0, $0x6;
	_ =	sdelay $0x2  }
0xc1: {  	s0 =	sshra.s32 s30, $0x2;
	s30 =	spop (v2sf);
	(v2sf) =	vpush v0, $0x7  }
0xc2: {  	s2 =	sand.u32 $0x1FFFFFF0, s2  }
0xc3: {  	s7 =	sadd.s32 $0x200, s0;
	s2 =	sadd.s32 s3, s2  }
0xc4: {  	[tilespmem:s7], [sflag:$0x1] =	stream.linear.gather [hbm4b:s2+s1], $0x80, $0x38;
	[tilespmem:$0x18200] =	vst v63  }
0xc5: {  	s2 =	sand.u32 $0x1FFFFFF0, s23;
	s7 =	spop (v2sf);
	(v2sf) =	vpush v0, $0x8  }
0xc6: {  	s24 =	sadd.s32 $0x280, s0;
	s25 =	sand.u32 $0x1FFFFFF0, s8;
	s2 =	sadd.s32 s3, s2  }
0xc7: {  	[tilespmem:s24], [sflag:$0x1] =	stream.linear.gather [hbm4b:s2+s1], $0x80, $0x38;
	[tilespmem:$0x18200] =	vst v63  }
0xc8: {  	s26 =	sadd.s32 $0x300, s0;
	s2 =	sadd.s32 s3, s25  }
0xc9: {  	[tilespmem:s26], [sflag:$0x1] =	stream.linear.gather [hbm4b:s2+s1], $0x80, $0x38;
	[tilespmem:$0x18200] =	vst v63  }
0xca: {  	s2 =	sand.u32 $0x1FFFFFF0, s30  }
0xcb: {  	s31 =	sadd.s32 $0x380, s0;
	s2 =	sadd.s32 s3, s2;
	s9 =	spop (v2sf);
	(v2sf) =	vpush v0, $0x9  }
0xcc: {  	[tilespmem:s31], [sflag:$0x1] =	stream.linear.gather [hbm4b:s2+s1], $0x80, $0x38;
	[tilespmem:$0x18200] =	vst v63  }
0xcd: {  	s2 =	sand.u32 $0x1FFFFFF0, s7;
	s11 =	spop (v2sf);
	(v2sf) =	vpush v0, $0xA  }
0xce: {  	s8 =	sadd.s32 $0x400, s0;
	s2 =	sadd.s32 s3, s2  }
0xcf: {  	[tilespmem:s8], [sflag:$0x1] =	stream.linear.gather [hbm4b:s2+s1], $0x80, $0x38;
	[tilespmem:$0x18200] =	vst v63  }
0xd0: {  	s2 =	sand.u32 $0x1FFFFFF0, s9;
	s13 =	spop (v2sf);
	(v2sf) =	vpush v0, $0xB  }
0xd1: {  	s10 =	sadd.s32 $0x480, s0;
	s2 =	sadd.s32 s3, s2  }
0xd2: {  	[tilespmem:s10], [sflag:$0x1] =	stream.linear.gather [hbm4b:s2+s1], $0x80, $0x38;
	[tilespmem:$0x18200] =	vst v63  }
0xd3: {  	s2 =	sand.u32 $0x1FFFFFF0, s11  }
0xd4: {  	s12 =	sadd.s32 $0x500, s0;
	s2 =	sadd.s32 s3, s2;
	s15 =	spop (v2sf)  }
0xd5: {  	(v2sf) =	vpush v0, $0xC;
	[tilespmem:s12], [sflag:$0x1] =	stream.linear.gather [hbm4b:s2+s1], $0x80, $0x38;
	[tilespmem:$0x18200] =	vst v63  }
0xd6: {  	s2 =	sand.u32 $0x1FFFFFF0, s13  }
0xd7: {  	s14 =	sadd.s32 $0x580, s0;
	s2 =	sadd.s32 s3, s2  }
0xd8: {  	[tilespmem:s14], [sflag:$0x1] =	stream.linear.gather [hbm4b:s2+s1], $0x80, $0x38;
	[tilespmem:$0x18200] =	vst v63  }
0xd9: {  	s2 =	sand.u32 $0x1FFFFFF0, s15  }
0xda: {  	s16 =	sadd.s32 $0x600, s0;
	s2 =	sadd.s32 s3, s2;
	s19 =	spop (v2sf);
	(v2sf) =	vpush v0, $0xD  }
0xdb: {  	[tilespmem:s16], [sflag:$0x1] =	stream.linear.gather [hbm4b:s2+s1], $0x80, $0x38;
	[tilespmem:$0x18200] =	vst v63  }
0xdc: {  	s2 =	sand.u32 $0x1FFFFFF0, s19;
	s23 =	spop (v2sf);
	(v2sf) =	vpush v0, $0xE  }
0xdd: {  	s22 =	sadd.s32 $0x680, s0;
	s2 =	sadd.s32 s3, s2  }
0xde: {  	[tilespmem:s22], [sflag:$0x1] =	stream.linear.gather [hbm4b:s2+s1], $0x80, $0x38;
	[tilespmem:$0x18200] =	vst v63  }
0xdf: {  	s25 =	spop (v2sf);
	(v2sf) =	vpush v0, $0xF  }
0xe0: {  	s2 =	sand.u32 $0x1FFFFFF0, s23  }
0xe1: {  	s24 =	sadd.s32 $0x700, s0;
	s2 =	sadd.s32 s3, s2  }
0xe2: {  	[tilespmem:s24], [sflag:$0x1] =	stream.linear.gather [hbm4b:s2+s1], $0x80, $0x38;
	[tilespmem:$0x18200] =	vst v63  }
0xe3: {  	s2 =	sand.u32 $0x1FFFFFF0, s25  }
0xe4: {  	s26 =	sadd.s32 $0x780, s0;
	s30 =	spop (v2sf);
	s2 =	sadd.s32 s3, s2  }
0xe5: {  	[tilespmem:s26], [sflag:$0x1] =	stream.linear.gather [hbm4b:s2+s1], $0x80, $0x38;
	[tilespmem:$0x18200] =	vst v63  }
0xe6: {  	s2 =	sand.u32 $0x1FFFFFF0, s30  }
0xe7: {  	s31 =	sadd.s32 $0x800, s0;
	s2 =	sadd.s32 s3, s2  }
0xe8: {  	[tilespmem:s31], [sflag:$0x1] =	stream.linear.gather [hbm4b:s2+s1], $0x80, $0x38;
	[tilespmem:$0x18200] =	vst v63  }
0xe9: {  	s8 =	spop (v2sf)  }
0xea: {  	s2 =	sand.u32 $0x1FFFFFF0, s8  }
0xeb: {  	s9 =	sadd.s32 $0x880, s0;
	s10 =	spop (v2sf);
	s2 =	sadd.s32 s3, s2  }
0xec: {  	[tilespmem:s9], [sflag:$0x1] =	stream.linear.gather [hbm4b:s2+s1], $0x80, $0x38;
	[tilespmem:$0x18200] =	vst v63  }
0xed: {  	s2 =	sand.u32 $0x1FFFFFF0, s10  }
0xee: {  	s11 =	sadd.s32 $0x900, s0;
	s12 =	spop (v2sf);
	s2 =	sadd.s32 s3, s2  }
0xef: {  	[tilespmem:s11], [sflag:$0x1] =	stream.linear.gather [hbm4b:s2+s1], $0x80, $0x38;
	[tilespmem:$0x18200] =	vst v63  }
0xf0: {  	s2 =	sand.u32 $0x1FFFFFF0, s12  }
0xf1: {  	s0 =	sadd.s32 $0x980, s0;
	s2 =	sadd.s32 s3, s2  }
0xf2: {  	[tilespmem:s0], [sflag:$0x1] =	stream.linear.gather [hbm4b:s2+s1], $0x80, $0x38;
	[tilespmem:$0x18200] =	vst v63  }
0xf3: {  	_ =	swait.ge [sflag:s18], $0x8000  }
0xf4: {  	[sflag:s18] =	ssyncset.done $0x0  }
0xf5: {  	s14 =	simm.s32 $0x200;
	s13 =	rddreg [dreg:$0x8];
	[sflag:s18] =	ssyncadd.s32 $0xFFFF8000  }
0xf6: {  	[hbm4b:s13+s1] =	stream.linear.scatter [tilespmem:s14], [sflag:$0x3], $0x8000, $0x38;
	[tilespmem:$0x18200] =	vst v63  }
0xf7: {  	_ =	swait.ge [sflag:s17], $0x8000  }
0xf8: {  	[sflag:s17] =	ssyncset.done $0x0  }
0xf9: {  	s15 =	rddreg [dreg:$0x9];
	[sflag:s17] =	ssyncadd.s32 $0xFFFF8000  }
0xfa: {  	[tilespmem:s1], [sflag:$0x3] =	stream.linear.gather [hbm4b:s15+s1], $0x200, $0x38;
	[tilespmem:$0x18200] =	vst v63  }
0xfb: {  	_ =	swait.ge [sflag:s17], $0x200  }
0xfc: {  	[sflag:s17] =	ssyncset.done $0x0  }
0xfd: {  	[sflag:s17] =	ssyncadd.s32 $0xFFFFFE00  }
0xfe: {  	[tilespmem:s21], [sflag:$0x2] =	stream.indirect.gather [hbm4b:s4+s20], $0x80, s1, s20, $0xb8;
	[tilespmem:$0x18200] =	vst v63  }
0xff: {  	s16 =	simm.s32 $0xC200  }
0x100: {  	[tilespmem:s16], [sflag:$0x2] =	stream.indirect.gather [hbm4b:s4+s20], $0x80, s20, s20, $0xb8;
	[tilespmem:$0x18200] =	vst v63  }
0x101: {  	s19 =	simm.s32 $0x100;
	s22 =	simm.s32 $0x10200  }
0x102: {  	[tilespmem:s22], [sflag:$0x2] =	stream.indirect.gather [hbm4b:s4+s20], $0x80, s19, s20, $0xb8;
	[tilespmem:$0x18200] =	vst v63  }
0x103: {  	s9 =	simm.s32 $0x180;
	s10 =	simm.s32 $0x14200  }
0x104: {  	[tilespmem:s10], [sflag:$0x2] =	stream.indirect.gather [hbm4b:s4+s20], $0x80, s9, s20, $0xb8;
	[tilespmem:$0x18200] =	vst v63  }
0x105: {  	_ =	swait.ge [sflag:s28], $0x10000  }
0x106: {  	[sflag:s28] =	ssyncset.done $0x0  }
0x107: {  	s23 =	rddreg [dreg:$0xa];
	[sflag:s28] =	ssyncadd.s32 $0xFFFF0000  }
0x108: {  	[hbm4b:s23+s1] =	stream.linear.scatter [tilespmem:s21], [sflag:$0x3], $0x10000, $0x38;
	[tilespmem:$0x18200] =	vst v63  }
0x109: {  	_ =	swait.ge [sflag:s17], $0x10000  }
0x10a: {  	[sflag:s17] =	ssyncset.done $0x0  }
0x10b: {  	s24 =	rddreg [dreg:$0xb];
	[sflag:s17] =	ssyncadd.s32 $0xFFFF0000  }
0x10c: {  	[tilespmem:s1], [sflag:$0x3] =	stream.linear.gather [hbm4b:s24+s1], $0x200, $0x38;
	[tilespmem:$0x18200] =	vst v63  }
0x10d: {  	_ =	swait.ge [sflag:s17], $0x200  }
0x10e: {  	[sflag:s17] =	ssyncset.done $0x0  }
0x10f: {  	[sflag:s17] =	ssyncadd.s32 $0xFFFFFE00  }
0x110: {  	[tilespmem:s21], [sflag:$0x2] =	stream.indirect.gather [hbm4b:s5+s20], $0x80, s1, s20, $0xb8;
	[tilespmem:$0x18200] =	vst v63  }
0x111: {  	_ = 	snop  }
0x112: {  	[tilespmem:s16], [sflag:$0x2] =	stream.indirect.gather [hbm4b:s5+s20], $0x80, s20, s20, $0xb8;
	[tilespmem:$0x18200] =	vst v63  }
0x113: {  	_ = 	snop  }
0x114: {  	[tilespmem:s22], [sflag:$0x2] =	stream.indirect.gather [hbm4b:s5+s20], $0x80, s19, s20, $0xb8;
	[tilespmem:$0x18200] =	vst v63  }
0x115: {  	_ = 	snop  }
0x116: {  	[tilespmem:s10], [sflag:$0x2] =	stream.indirect.gather [hbm4b:s5+s20], $0x80, s9, s20, $0xb8;
	[tilespmem:$0x18200] =	vst v63  }
0x117: {  	_ =	swait.ge [sflag:s28], $0x10000  }
0x118: {  	[sflag:s28] =	ssyncset.done $0x0  }
0x119: {  	s25 =	rddreg [dreg:$0xc];
	[sflag:s28] =	ssyncadd.s32 $0xFFFF0000  }
0x11a: {  	[hbm4b:s25+s1] =	stream.linear.scatter [tilespmem:s21], [sflag:$0x3], $0x10000, $0x38;
	[tilespmem:$0x18200] =	vst v63  }
0x11b: {  	_ =	swait.ge [sflag:s17], $0x10000  }
0x11c: {  	[sflag:s17] =	ssyncset.done $0x0  }
0x11d: {  	s26 =	rddreg [dreg:$0xd];
	[sflag:s17] =	ssyncadd.s32 $0xFFFF0000  }
0x11e: {  	[tilespmem:s1], [sflag:$0x3] =	stream.linear.gather [hbm4b:s26+s1], $0x200, $0x38;
	[tilespmem:$0x18200] =	vst v63  }
0x11f: {  	_ =	swait.ge [sflag:s17], $0x200  }
0x120: {  	[sflag:s17] =	ssyncset.done $0x0  }
0x121: {  	[sflag:s17] =	ssyncadd.s32 $0xFFFFFE00  }
0x122: {  	[tilespmem:s21], [sflag:$0x2] =	stream.indirect.gather [hbm4b:s6+s20], $0x80, s1, s20, $0xb8;
	[tilespmem:$0x18200] =	vst v63  }
0x123: {  	_ = 	snop  }
0x124: {  	[tilespmem:s16], [sflag:$0x2] =	stream.indirect.gather [hbm4b:s6+s20], $0x80, s20, s20, $0xb8;
	[tilespmem:$0x18200] =	vst v63  }
0x125: {  	_ = 	snop  }
0x126: {  	[tilespmem:s22], [sflag:$0x2] =	stream.indirect.gather [hbm4b:s6+s20], $0x80, s19, s20, $0xb8;
	[tilespmem:$0x18200] =	vst v63  }
0x127: {  	_ = 	snop  }
0x128: {  	[tilespmem:s10], [sflag:$0x2] =	stream.indirect.gather [hbm4b:s6+s20], $0x80, s9, s20, $0xb8;
	[tilespmem:$0x18200] =	vst v63  }
0x129: {  	_ =	swait.ge [sflag:s28], $0x10000  }
0x12a: {  	[sflag:s28] =	ssyncset.done $0x0  }
0x12b: {  	s30 =	rddreg [dreg:$0xe];
	[sflag:s28] =	ssyncadd.s32 $0xFFFF0000  }
0x12c: {  	[hbm4b:s30+s1] =	stream.linear.scatter [tilespmem:s21], [sflag:$0x3], $0x10000, $0x38;
	[tilespmem:$0x18200] =	vst v63  }
0x12d: {  	_ =	swait.ge [sflag:s17], $0x10000  }
0x12e: {  	s29 =	sadd.s32 $0x1, s29;
	s31 =	rddreg [dreg:$0xf]  }
0x12f: {  	p0 =	sne.s32 s29, s31  }
.Ltmp2:
0x130: {  	_ = 	snop;
	(pc) =	sbr.rel @p0 .LBB2_1-.Ltmp2, $3  }
0x131: {  	_ =	sdelay $0x1  }
0x132: {  	[sflag:s17] =	ssyncset.done $0x0  }
0x133: {  	[sflag:s17] =	ssyncadd.s32 $0xFFFF0000  }
0x134: {  	_ =	sfence.sel $0x180000  }
0x135: {  	[bflag:$0x0] =	sbarrier.arrive $0xFFFF  }
0x136: {  	_ =	strace $0x90000047  }
0x137: {  	s0 =	stileid.u32;
	[bflag:$0x2] =	sbarrier.arrive $0xFFFF  }
0x138: {  	p0 =	sne.s32 s0, $0x0;
	s0 =	rddreg [dreg:$0x5]  }
0x139: {  	s0 =	sadd.s32 @!p0 $0x100000, s0  }
0x13a: {  	[sflag:s0] =	ssyncadd.tile.s32 @!p0 $0x1;
	_ =	shalt  }
.Lfunc_end2:
_tile_overlayer_lowered:
.L_overlay_start_2:
0x13b: {  	(tag) =	ssettag $0x2  }
0x13c: {  	s0 =	rddreg [dreg:$0x0];
	s2 =	stileid.u32  }
0x13d: {  	s1 =	rddreg [dreg:$0x1];
	p0 =	sne.s32 s2, $0x0  }
0x13e: {  	s3 =	rddreg [dreg:$0x2];
	[bflag:$0x3] =	sbarrier.arrive $0xFFFF;
	s2 =	simm.s32 @!p0 $0x1C03  }
0x13f: {  	[timem:s3], [sflag:s2] =	dma.local @!p0 [hbm:s0], s1  }
0x140: {  	s0 =	simm.s32 @!p0 $0x3  }
0x141: {  	_ =	swait.ge @!p0 [sflag:s0], s1  }
0x142: {  	s1 =	ssub.s32 @!p0 $0x0, s1;
	[sflag:s0] =	ssyncset.done @!p0 $0x0  }
0x143: {  	[sflag:s0] =	ssyncadd.s32 @!p0 s1  }
0x144: {  	[bflag:$0x3] =	sbarrier.arrive $0xFFFF  }
0x145: {  	_ =	shalt  }

</sc_bundles>
